<compile_context>
chip_gen: v7x
topology: tpu7x:2x2x1
jax: 0.10.2.dev20260603
libtpu: 0.0.44.dev20260713+nightly
codegen_flags: <defaults>
</compile_context>

<pallas_src>
import functools

import jax
import jax.numpy as jnp
from jax import lax
from jax.experimental import pallas as pl
from jax.experimental.pallas import tpu as pltpu
from jax.experimental.pallas import tpu_sc as plsc

N = 10000
D = 128
E = 320000
NC = 2
NS = 16
NW = NC * NS
EPW = E // NW
C = 192
FULL = EPW // C
TAIL = EPW - FULL * C
NIO = 10
RPT = N // NIO
L = 16


def _pre_body(x_ref, ws_ref, wd_ref, bm_ref, wn_ref, bo_ref,
              xs_ref, xdb_ref, xnb_ref):
    xb = x_ref[...]
    xs_ref[...] = jnp.dot(xb, ws_ref[...], preferred_element_type=jnp.float32)
    xdb_ref[...] = (jnp.dot(xb, wd_ref[...], preferred_element_type=jnp.float32)
                    + bm_ref[...])
    xnb_ref[...] = (jnp.dot(xb, wn_ref[...], preferred_element_type=jnp.float32)
                    + bo_ref[...])


def _precompute(x, W_src, W_dst, b_msg, W_node, b_out):
    BR = 1000
    wspec = pl.BlockSpec((D, D), lambda i: (0, 0))
    bspec = pl.BlockSpec((1, D), lambda i: (0, 0))
    rspec = pl.BlockSpec((BR, D), lambda i: (i, 0))
    return pl.pallas_call(
        _pre_body,
        grid=(N // BR,),
        in_specs=[rspec, wspec, wspec, bspec, wspec, bspec],
        out_specs=[rspec, rspec, rspec],
        out_shape=[jax.ShapeDtypeStruct((N, D), jnp.float32)] * 3,
    )(x, W_src, W_dst, b_msg.reshape(1, D), W_node, b_out.reshape(1, D))


def _post_body(xnb_ref, a0_ref, a1_ref, wa_ref, o_ref):
    agg = a0_ref[...] + a1_ref[...]
    o_ref[...] = jnp.maximum(
        jnp.dot(agg, wa_ref[...], preferred_element_type=jnp.float32)
        + xnb_ref[...], 0.0)


def _postcompute(xnb, agg2, W_agg):
    BR = 1000
    wspec = pl.BlockSpec((D, D), lambda i: (0, 0))
    rspec = pl.BlockSpec((BR, D), lambda i: (i, 0))
    a1spec = pl.BlockSpec((BR, D), lambda i: (i + N // BR, 0))
    return pl.pallas_call(
        _post_body,
        grid=(N // BR,),
        in_specs=[rspec, rspec, a1spec, wspec],
        out_specs=rspec,
        out_shape=jax.ShapeDtypeStruct((N, D), jnp.float32),
    )(xnb, agg2, agg2, W_agg)


def _edge_aggregate(xs, xdb, src, dst):
    mesh = plsc.VectorSubcoreMesh(core_axis_name="c", subcore_axis_name="s")

    @functools.partial(
        pl.kernel,
        mesh=mesh,
        out_type=jax.ShapeDtypeStruct((NC * N, D), jnp.float32),
        scratch_types=[
            pltpu.VMEM((C,), jnp.int32),
            pltpu.VMEM((C,), jnp.int32),
            pltpu.VMEM((C, D), jnp.float32),
            pltpu.VMEM((C, D), jnp.float32),
            pltpu.VMEM((TAIL,), jnp.int32),
            pltpu.VMEM((TAIL,), jnp.int32),
            pltpu.VMEM_SHARED((N, D), jnp.float32),
            pltpu.SemaphoreType.DMA,
            pltpu.SemaphoreType.DMA,
        ],
    )
    def k(xs_hbm, xdb_hbm, src_hbm, dst_hbm, out_hbm,
          isrc, idst, buf_a, buf_b, isrc_t, idst_t, acc, sem_a, sem_b):
        cid = lax.axis_index("c")
        sid = lax.axis_index("s")
        wid = sid * NC + cid
        zero = jnp.zeros((L,), jnp.float32)

        def zrow(i, carry):
            for j in range(D // L):
                buf_a[i, pl.ds(j * L, L)] = zero
            return carry
        lax.fori_loop(0, C, zrow, 0)

        @pl.when(sid < NIO)
        def _init():
            for t in range(RPT // C):
                pltpu.sync_copy(buf_a,
                                acc.at[pl.ds(sid * RPT + t * C, C)])
            pltpu.sync_copy(buf_a.at[pl.ds(0, RPT - (RPT // C) * C)],
                            acc.at[pl.ds(sid * RPT + (RPT // C) * C,
                                         RPT - (RPT // C) * C)])
        plsc.subcore_barrier()

        base0 = wid * EPW

        def relu_add(rows):
            def row(i, carry):
                for j in range(D // L):
                    sl = pl.ds(j * L, L)
                    buf_a[i, sl] = jnp.maximum(buf_a[i, sl] + buf_b[i, sl],
                                               0.0)
                return carry
            lax.fori_loop(0, rows, row, 0)

        def chunk(kk, carry):
            base = base0 + kk * C
            ia = pltpu.async_copy(src_hbm.at[pl.ds(base, C)], isrc, sem_a)
            ib = pltpu.async_copy(dst_hbm.at[pl.ds(base, C)], idst, sem_b)
            ia.wait()
            ib.wait()
            ca = pltpu.async_copy(xs_hbm.at[isrc], buf_a, sem_a)
            cb = pltpu.async_copy(xdb_hbm.at[idst], buf_b, sem_b)
            ca.wait()
            cb.wait()
            relu_add(C)
            pltpu.sync_copy(buf_a, acc.at[idst], add=True)
            return carry
        lax.fori_loop(0, FULL, chunk, 0)

        tbase = base0 + FULL * C
        pltpu.sync_copy(src_hbm.at[pl.ds(tbase, TAIL)], isrc_t)
        pltpu.sync_copy(dst_hbm.at[pl.ds(tbase, TAIL)], idst_t)
        ca = pltpu.async_copy(xs_hbm.at[isrc_t], buf_a.at[pl.ds(0, TAIL)],
                              sem_a)
        cb = pltpu.async_copy(xdb_hbm.at[idst_t], buf_b.at[pl.ds(0, TAIL)],
                              sem_b)
        ca.wait()
        cb.wait()
        relu_add(TAIL)
        pltpu.sync_copy(buf_a.at[pl.ds(0, TAIL)], acc.at[idst_t], add=True)

        plsc.subcore_barrier()

        @pl.when(sid < NIO)
        def _writeout():
            pltpu.sync_copy(acc.at[pl.ds(sid * RPT, RPT)],
                            out_hbm.at[pl.ds(cid * N + sid * RPT, RPT)])

    return k(xs, xdb, src, dst)


def kernel(x, edge_index, W_src, W_dst, b_msg, W_node, W_agg, b_out):
    src = edge_index[0]
    dst = edge_index[1]
    xs, xdb, xnb = _precompute(x, W_src, W_dst, b_msg, W_node, b_out)
    agg2 = _edge_aggregate(xs, xdb, src, dst)
    return _postcompute(xnb, agg2, W_agg)

# --- scband reference (transcript-rebuilt; emitter-appended) ---
"""Pipeline reference for scband-net-17360257810705 (READ-ONLY COPY).

The authoritative reference and input builder live on the scoring server;
editing this copy changes nothing except your own understanding.
"""

import jax, jax.numpy as jnp
import numpy as np

N = 10000
E = 320000
D = 128


def setup_inputs(seed: int = 0) -> dict:
    key = jax.random.key(seed)
    ks = jax.random.split(key, 8)
    x = jax.random.normal(ks[0], (N, D), dtype=jnp.float32)
    edge_index = jax.random.randint(ks[1], (2, E), 0, N).astype(jnp.int32)
    s = 1.0 / np.sqrt(D)
    W_src = jax.random.normal(ks[2], (D, D), dtype=jnp.float32) * s
    W_dst = jax.random.normal(ks[3], (D, D), dtype=jnp.float32) * s
    b_msg = jnp.zeros((D,), dtype=jnp.float32)
    W_node = jax.random.normal(ks[4], (D, D), dtype=jnp.float32) * s
    W_agg = jax.random.normal(ks[5], (D, D), dtype=jnp.float32) * s
    b_out = jnp.zeros((D,), dtype=jnp.float32)
    return {
        "x": x,
        "edge_index": edge_index,
        "W_src": W_src,
        "W_dst": W_dst,
        "b_msg": b_msg,
        "W_node": W_node,
        "W_agg": W_agg,
        "b_out": b_out,
    }


def reference(x, edge_index, W_src, W_dst, b_msg, W_node, W_agg, b_out):
    # One message-passing step of the Net's MPNN processor (hidden_dim=128,
    # nb_msg_passing_steps=1, no hints, no LSTM):
    #   message: m_e = relu(W_src h_src + W_dst h_dst + b)
    #   aggregate: a_v = sum_{e: dst(e)=v} m_e   (scatter-add / segment_sum)
    #   update:  h'_v = relu(W_node h_v + W_agg a_v + b)
    src = edge_index[0]
    dst = edge_index[1]
    msg = jax.nn.relu(x[src] @ W_src + x[dst] @ W_dst + b_msg)
    agg = jax.ops.segment_sum(msg, dst, num_segments=N)
    out = jax.nn.relu(x @ W_node + agg @ W_agg + b_out)
    return out

if __name__ == "__main__":
    import jax
    _d = setup_inputs()
    print(jax.jit(kernel)(*tuple(_d.values())))

</pallas_src>

<mosaic_0001>
#map = affine_map<(d0, d1) -> (0, 0)>
#map1 = affine_map<(d0, d1) -> (0)>
module attributes {stable_mosaic.version = 14 : i64} {
  func.func @k(%arg0: i32, %arg1: i32, %arg2: memref<10000x128xf32, #tpu.memory_space<hbm>>, %arg3: memref<10000x128xf32, #tpu.memory_space<hbm>>, %arg4: memref<320000xi32, #tpu.memory_space<hbm>>, %arg5: memref<320000xi32, #tpu.memory_space<hbm>>, %arg6: memref<20000x128xf32, #tpu.memory_space<hbm>>, %arg7: memref<192xi32, #tpu.memory_space<vmem>>, %arg8: memref<192xi32, #tpu.memory_space<vmem>>, %arg9: memref<192x128xf32, #tpu.memory_space<vmem>>, %arg10: memref<192x128xf32, #tpu.memory_space<vmem>>, %arg11: memref<16xi32, #tpu.memory_space<vmem>>, %arg12: memref<16xi32, #tpu.memory_space<vmem>>, %arg13: memref<10000x128xf32, #tpu.memory_space<vmem_shared>>, %arg14: memref<!tpu.dma_semaphore, #tpu.memory_space<semaphore_mem>>, %arg15: memref<!tpu.dma_semaphore, #tpu.memory_space<semaphore_mem>>) attributes {dimension_semantics = [#tpu.dimension_semantics<core_parallel>, #tpu.dimension_semantics<subcore_parallel>], iteration_bounds = array<i64: 2, 16>, scalar_prefetch = 0 : i64, scratch_operands = 9 : i64, tpu.core_type = #tpu.core_type<sc_vector_subcore>, window_params = [{transform_indices = #map}, {transform_indices = #map}, {transform_indices = #map1}, {transform_indices = #map1}, {transform_indices = #map}]} {
    %mul3A = arith.constant 2 : i32
    %mul3A_0 = arith.muli %arg1, %mul3A : i32
    %add3A = arith.addi %mul3A_0, %arg0 : i32
    %broadcast_in_dim3A = arith.constant 0.000000e+00 : f32
    %broadcast_in_dim3A_1 = vector.broadcast %broadcast_in_dim3A : f32 to vector<16xf32>
    %scan3A = arith.constant 0 : i32
    %scan3A_2 = arith.constant 0 : i32
    %scan3A_3 = arith.constant 192 : i32
    %scan3A_4 = arith.addi %scan3A_2, %scan3A_3 : i32
    %scan3A_5 = arith.constant 1 : i32
    scf.for %scan3A_53 = %scan3A_2 to %scan3A_4 step %scan3A_5  : i32 {
      %swap3A = arith.index_cast %scan3A_53 : i32 to index
      %swap3A_54 = arith.constant 0 : index
      %swap3A_55 = tpu.vector_load %arg9[%swap3A, %swap3A_54] {strides = array<i32>} : memref<192x128xf32, #tpu.memory_space<vmem>>, vector<1x16xf32>,
      %swap3A_56 = vector.shape_cast %swap3A_55 : vector<1x16xf32> to vector<16xf32>
      %swap3A_57 = vector.shape_cast %broadcast_in_dim3A_1 : vector<16xf32> to vector<1x16xf32>
      tpu.vector_store %arg9[%swap3A, %swap3A_54], %swap3A_57 {strides = array<i32>} : memref<192x128xf32, #tpu.memory_space<vmem>>, vector<1x16xf32>,
      %swap3A_58 = arith.index_cast %scan3A_53 : i32 to index
      %swap3A_59 = arith.constant 16 : index
      %swap3A_60 = tpu.vector_load %arg9[%swap3A_58, %swap3A_59] {strides = array<i32>} : memref<192x128xf32, #tpu.memory_space<vmem>>, vector<1x16xf32>,
      %swap3A_61 = vector.shape_cast %swap3A_60 : vector<1x16xf32> to vector<16xf32>
      %swap3A_62 = vector.shape_cast %broadcast_in_dim3A_1 : vector<16xf32> to vector<1x16xf32>
      tpu.vector_store %arg9[%swap3A_58, %swap3A_59], %swap3A_62 {strides = array<i32>} : memref<192x128xf32, #tpu.memory_space<vmem>>, vector<1x16xf32>,
      %swap3A_63 = arith.index_cast %scan3A_53 : i32 to index
      %swap3A_64 = arith.constant 32 : index
      %swap3A_65 = tpu.vector_load %arg9[%swap3A_63, %swap3A_64] {strides = array<i32>} : memref<192x128xf32, #tpu.memory_space<vmem>>, vector<1x16xf32>,
      %swap3A_66 = vector.shape_cast %swap3A_65 : vector<1x16xf32> to vector<16xf32>
      %swap3A_67 = vector.shape_cast %broadcast_in_dim3A_1 : vector<16xf32> to vector<1x16xf32>
      tpu.vector_store %arg9[%swap3A_63, %swap3A_64], %swap3A_67 {strides = array<i32>} : memref<192x128xf32, #tpu.memory_space<vmem>>, vector<1x16xf32>,
      %swap3A_68 = arith.index_cast %scan3A_53 : i32 to index
      %swap3A_69 = arith.constant 48 : index
      %swap3A_70 = tpu.vector_load %arg9[%swap3A_68, %swap3A_69] {strides = array<i32>} : memref<192x128xf32, #tpu.memory_space<vmem>>, vector<1x16xf32>,
      %swap3A_71 = vector.shape_cast %swap3A_70 : vector<1x16xf32> to vector<16xf32>
      %swap3A_72 = vector.shape_cast %broadcast_in_dim3A_1 : vector<16xf32> to vector<1x16xf32>
      tpu.vector_store %arg9[%swap3A_68, %swap3A_69], %swap3A_72 {strides = array<i32>} : memref<192x128xf32, #tpu.memory_space<vmem>>, vector<1x16xf32>,
      %swap3A_73 = arith.index_cast %scan3A_53 : i32 to index
      %swap3A_74 = arith.constant 64 : index
      %swap3A_75 = tpu.vector_load %arg9[%swap3A_73, %swap3A_74] {strides = array<i32>} : memref<192x128xf32, #tpu.memory_space<vmem>>, vector<1x16xf32>,
      %swap3A_76 = vector.shape_cast %swap3A_75 : vector<1x16xf32> to vector<16xf32>
      %swap3A_77 = vector.shape_cast %broadcast_in_dim3A_1 : vector<16xf32> to vector<1x16xf32>
      tpu.vector_store %arg9[%swap3A_73, %swap3A_74], %swap3A_77 {strides = array<i32>} : memref<192x128xf32, #tpu.memory_space<vmem>>, vector<1x16xf32>,
      %swap3A_78 = arith.index_cast %scan3A_53 : i32 to index
      %swap3A_79 = arith.constant 80 : index
      %swap3A_80 = tpu.vector_load %arg9[%swap3A_78, %swap3A_79] {strides = array<i32>} : memref<192x128xf32, #tpu.memory_space<vmem>>, vector<1x16xf32>,
      %swap3A_81 = vector.shape_cast %swap3A_80 : vector<1x16xf32> to vector<16xf32>
      %swap3A_82 = vector.shape_cast %broadcast_in_dim3A_1 : vector<16xf32> to vector<1x16xf32>
      tpu.vector_store %arg9[%swap3A_78, %swap3A_79], %swap3A_82 {strides = array<i32>} : memref<192x128xf32, #tpu.memory_space<vmem>>, vector<1x16xf32>,
      %swap3A_83 = arith.index_cast %scan3A_53 : i32 to index
      %swap3A_84 = arith.constant 96 : index
      %swap3A_85 = tpu.vector_load %arg9[%swap3A_83, %swap3A_84] {strides = array<i32>} : memref<192x128xf32, #tpu.memory_space<vmem>>, vector<1x16xf32>,
      %swap3A_86 = vector.shape_cast %swap3A_85 : vector<1x16xf32> to vector<16xf32>
      %swap3A_87 = vector.shape_cast %broadcast_in_dim3A_1 : vector<16xf32> to vector<1x16xf32>
      tpu.vector_store %arg9[%swap3A_83, %swap3A_84], %swap3A_87 {strides = array<i32>} : memref<192x128xf32, #tpu.memory_space<vmem>>, vector<1x16xf32>,
      %swap3A_88 = arith.index_cast %scan3A_53 : i32 to index
      %swap3A_89 = arith.constant 112 : index
      %swap3A_90 = tpu.vector_load %arg9[%swap3A_88, %swap3A_89] {strides = array<i32>} : memref<192x128xf32, #tpu.memory_space<vmem>>, vector<1x16xf32>,
      %swap3A_91 = vector.shape_cast %swap3A_90 : vector<1x16xf32> to vector<16xf32>
      %swap3A_92 = vector.shape_cast %broadcast_in_dim3A_1 : vector<16xf32> to vector<1x16xf32>
      tpu.vector_store %arg9[%swap3A_88, %swap3A_89], %swap3A_92 {strides = array<i32>} : memref<192x128xf32, #tpu.memory_space<vmem>>, vector<1x16xf32>,
    }
    %scan3A_6 = arith.constant 192 : i32
    %lt3A = arith.constant 10 : i32
    %lt3A_7 = arith.cmpi slt, %arg1, %lt3A : i32
    %convert_element_type3A = arith.extui %lt3A_7 : i1 to i32
    %cond3A = arith.constant 0 : i32
    %cond3A_8 = arith.cmpi ne, %convert_element_type3A, %cond3A : i32
    scf.if %cond3A_8 {
      %mul3A_53 = arith.constant 1000 : i32
      %mul3A_54 = arith.muli %arg1, %mul3A_53 : i32
      %add3A_55 = arith.constant 0 : i32
      %add3A_56 = arith.addi %mul3A_54, %add3A_55 : i32
      "tpu.region"() ({
        %run_scoped3A = tpu.sem_alloc : memref<!tpu.dma_semaphore, #tpu.memory_space<semaphore_mem>>
        %dma_start3A_77 = arith.constant 0 : i32
        %dma_start3A_78 = tpu.memref_slice %arg13[%add3A_56, %dma_start3A_77] : memref<10000x128xf32, #tpu.memory_space<vmem_shared>> -> memref<192x128xf32, #tpu.memory_space<vmem_shared>>
        %dma_start3A_79 = arith.constant 0 : i32
        %dma_start3A_80 = tpu.memref_slice %arg13[%add3A_56, %dma_start3A_79] : memref<10000x128xf32, #tpu.memory_space<vmem_shared>> -> memref<192x128xf32, #tpu.memory_space<vmem_shared>>
        tpu.enqueue_dma source(%arg9 : memref<192x128xf32, #tpu.memory_space<vmem>>) target(%dma_start3A_80 : memref<192x128xf32, #tpu.memory_space<vmem_shared>>) target_semaphore(%run_scoped3A : memref<!tpu.dma_semaphore, #tpu.memory_space<semaphore_mem>>)
        %dma_wait3A_81 = arith.constant 0 : i32
        %dma_wait3A_82 = tpu.memref_slice %arg13[%add3A_56, %dma_wait3A_81] : memref<10000x128xf32, #tpu.memory_space<vmem_shared>> -> memref<192x128xf32, #tpu.memory_space<vmem_shared>>
        %dma_wait3A_83 = arith.constant 0 : i32
        %dma_wait3A_84 = tpu.memref_slice %arg13[%add3A_56, %dma_wait3A_83] : memref<10000x128xf32, #tpu.memory_space<vmem_shared>> -> memref<192x128xf32, #tpu.memory_space<vmem_shared>>
        tpu.wait_dma2 semaphore(%run_scoped3A : memref<!tpu.dma_semaphore, #tpu.memory_space<semaphore_mem>>) src(%arg9 : memref<192x128xf32, #tpu.memory_space<vmem>>) dst(%dma_wait3A_84 : memref<192x128xf32, #tpu.memory_space<vmem_shared>>)
        tpu.yield
      }) : () -> ()
      %mul3A_57 = arith.constant 1000 : i32
      %mul3A_58 = arith.muli %arg1, %mul3A_57 : i32
      %add3A_59 = arith.constant 192 : i32
      %add3A_60 = arith.addi %mul3A_58, %add3A_59 : i32
      "tpu.region"() ({
        %run_scoped3A = tpu.sem_alloc : memref<!tpu.dma_semaphore, #tpu.memory_space<semaphore_mem>>
        %dma_start3A_77 = arith.constant 0 : i32
        %dma_start3A_78 = tpu.memref_slice %arg13[%add3A_60, %dma_start3A_77] : memref<10000x128xf32, #tpu.memory_space<vmem_shared>> -> memref<192x128xf32, #tpu.memory_space<vmem_shared>>
        %dma_start3A_79 = arith.constant 0 : i32
        %dma_start3A_80 = tpu.memref_slice %arg13[%add3A_60, %dma_start3A_79] : memref<10000x128xf32, #tpu.memory_space<vmem_shared>> -> memref<192x128xf32, #tpu.memory_space<vmem_shared>>
        tpu.enqueue_dma source(%arg9 : memref<192x128xf32, #tpu.memory_space<vmem>>) target(%dma_start3A_80 : memref<192x128xf32, #tpu.memory_space<vmem_shared>>) target_semaphore(%run_scoped3A : memref<!tpu.dma_semaphore, #tpu.memory_space<semaphore_mem>>)
        %dma_wait3A_81 = arith.constant 0 : i32
        %dma_wait3A_82 = tpu.memref_slice %arg13[%add3A_60, %dma_wait3A_81] : memref<10000x128xf32, #tpu.memory_space<vmem_shared>> -> memref<192x128xf32, #tpu.memory_space<vmem_shared>>
        %dma_wait3A_83 = arith.constant 0 : i32
        %dma_wait3A_84 = tpu.memref_slice %arg13[%add3A_60, %dma_wait3A_83] : memref<10000x128xf32, #tpu.memory_space<vmem_shared>> -> memref<192x128xf32, #tpu.memory_space<vmem_shared>>
        tpu.wait_dma2 semaphore(%run_scoped3A : memref<!tpu.dma_semaphore, #tpu.memory_space<semaphore_mem>>) src(%arg9 : memref<192x128xf32, #tpu.memory_space<vmem>>) dst(%dma_wait3A_84 : memref<192x128xf32, #tpu.memory_space<vmem_shared>>)
        tpu.yield
      }) : () -> ()
      %mul3A_61 = arith.constant 1000 : i32
      %mul3A_62 = arith.muli %arg1, %mul3A_61 : i32
      %add3A_63 = arith.constant 384 : i32
      %add3A_64 = arith.addi %mul3A_62, %add3A_63 : i32
      "tpu.region"() ({
        %run_scoped3A = tpu.sem_alloc : memref<!tpu.dma_semaphore, #tpu.memory_space<semaphore_mem>>
        %dma_start3A_77 = arith.constant 0 : i32
        %dma_start3A_78 = tpu.memref_slice %arg13[%add3A_64, %dma_start3A_77] : memref<10000x128xf32, #tpu.memory_space<vmem_shared>> -> memref<192x128xf32, #tpu.memory_space<vmem_shared>>
        %dma_start3A_79 = arith.constant 0 : i32
        %dma_start3A_80 = tpu.memref_slice %arg13[%add3A_64, %dma_start3A_79] : memref<10000x128xf32, #tpu.memory_space<vmem_shared>> -> memref<192x128xf32, #tpu.memory_space<vmem_shared>>
        tpu.enqueue_dma source(%arg9 : memref<192x128xf32, #tpu.memory_space<vmem>>) target(%dma_start3A_80 : memref<192x128xf32, #tpu.memory_space<vmem_shared>>) target_semaphore(%run_scoped3A : memref<!tpu.dma_semaphore, #tpu.memory_space<semaphore_mem>>)
        %dma_wait3A_81 = arith.constant 0 : i32
        %dma_wait3A_82 = tpu.memref_slice %arg13[%add3A_64, %dma_wait3A_81] : memref<10000x128xf32, #tpu.memory_space<vmem_shared>> -> memref<192x128xf32, #tpu.memory_space<vmem_shared>>
        %dma_wait3A_83 = arith.constant 0 : i32
        %dma_wait3A_84 = tpu.memref_slice %arg13[%add3A_64, %dma_wait3A_83] : memref<10000x128xf32, #tpu.memory_space<vmem_shared>> -> memref<192x128xf32, #tpu.memory_space<vmem_shared>>
        tpu.wait_dma2 semaphore(%run_scoped3A : memref<!tpu.dma_semaphore, #tpu.memory_space<semaphore_mem>>) src(%arg9 : memref<192x128xf32, #tpu.memory_space<vmem>>) dst(%dma_wait3A_84 : memref<192x128xf32, #tpu.memory_space<vmem_shared>>)
        tpu.yield
      }) : () -> ()
      %mul3A_65 = arith.constant 1000 : i32
      %mul3A_66 = arith.muli %arg1, %mul3A_65 : i32
      %add3A_67 = arith.constant 576 : i32
      %add3A_68 = arith.addi %mul3A_66, %add3A_67 : i32
      "tpu.region"() ({
        %run_scoped3A = tpu.sem_alloc : memref<!tpu.dma_semaphore, #tpu.memory_space<semaphore_mem>>
        %dma_start3A_77 = arith.constant 0 : i32
        %dma_start3A_78 = tpu.memref_slice %arg13[%add3A_68, %dma_start3A_77] : memref<10000x128xf32, #tpu.memory_space<vmem_shared>> -> memref<192x128xf32, #tpu.memory_space<vmem_shared>>
        %dma_start3A_79 = arith.constant 0 : i32
        %dma_start3A_80 = tpu.memref_slice %arg13[%add3A_68, %dma_start3A_79] : memref<10000x128xf32, #tpu.memory_space<vmem_shared>> -> memref<192x128xf32, #tpu.memory_space<vmem_shared>>
        tpu.enqueue_dma source(%arg9 : memref<192x128xf32, #tpu.memory_space<vmem>>) target(%dma_start3A_80 : memref<192x128xf32, #tpu.memory_space<vmem_shared>>) target_semaphore(%run_scoped3A : memref<!tpu.dma_semaphore, #tpu.memory_space<semaphore_mem>>)
        %dma_wait3A_81 = arith.constant 0 : i32
        %dma_wait3A_82 = tpu.memref_slice %arg13[%add3A_68, %dma_wait3A_81] : memref<10000x128xf32, #tpu.memory_space<vmem_shared>> -> memref<192x128xf32, #tpu.memory_space<vmem_shared>>
        %dma_wait3A_83 = arith.constant 0 : i32
        %dma_wait3A_84 = tpu.memref_slice %arg13[%add3A_68, %dma_wait3A_83] : memref<10000x128xf32, #tpu.memory_space<vmem_shared>> -> memref<192x128xf32, #tpu.memory_space<vmem_shared>>
        tpu.wait_dma2 semaphore(%run_scoped3A : memref<!tpu.dma_semaphore, #tpu.memory_space<semaphore_mem>>) src(%arg9 : memref<192x128xf32, #tpu.memory_space<vmem>>) dst(%dma_wait3A_84 : memref<192x128xf32, #tpu.memory_space<vmem_shared>>)
        tpu.yield
      }) : () -> ()
      %mul3A_69 = arith.constant 1000 : i32
      %mul3A_70 = arith.muli %arg1, %mul3A_69 : i32
      %add3A_71 = arith.constant 768 : i32
      %add3A_72 = arith.addi %mul3A_70, %add3A_71 : i32
      "tpu.region"() ({
        %run_scoped3A = tpu.sem_alloc : memref<!tpu.dma_semaphore, #tpu.memory_space<semaphore_mem>>
        %dma_start3A_77 = arith.constant 0 : i32
        %dma_start3A_78 = tpu.memref_slice %arg13[%add3A_72, %dma_start3A_77] : memref<10000x128xf32, #tpu.memory_space<vmem_shared>> -> memref<192x128xf32, #tpu.memory_space<vmem_shared>>
        %dma_start3A_79 = arith.constant 0 : i32
        %dma_start3A_80 = tpu.memref_slice %arg13[%add3A_72, %dma_start3A_79] : memref<10000x128xf32, #tpu.memory_space<vmem_shared>> -> memref<192x128xf32, #tpu.memory_space<vmem_shared>>
        tpu.enqueue_dma source(%arg9 : memref<192x128xf32, #tpu.memory_space<vmem>>) target(%dma_start3A_80 : memref<192x128xf32, #tpu.memory_space<vmem_shared>>) target_semaphore(%run_scoped3A : memref<!tpu.dma_semaphore, #tpu.memory_space<semaphore_mem>>)
        %dma_wait3A_81 = arith.constant 0 : i32
        %dma_wait3A_82 = tpu.memref_slice %arg13[%add3A_72, %dma_wait3A_81] : memref<10000x128xf32, #tpu.memory_space<vmem_shared>> -> memref<192x128xf32, #tpu.memory_space<vmem_shared>>
        %dma_wait3A_83 = arith.constant 0 : i32
        %dma_wait3A_84 = tpu.memref_slice %arg13[%add3A_72, %dma_wait3A_83] : memref<10000x128xf32, #tpu.memory_space<vmem_shared>> -> memref<192x128xf32, #tpu.memory_space<vmem_shared>>
        tpu.wait_dma2 semaphore(%run_scoped3A : memref<!tpu.dma_semaphore, #tpu.memory_space<semaphore_mem>>) src(%arg9 : memref<192x128xf32, #tpu.memory_space<vmem>>) dst(%dma_wait3A_84 : memref<192x128xf32, #tpu.memory_space<vmem_shared>>)
        tpu.yield
      }) : () -> ()
      %mul3A_73 = arith.constant 1000 : i32
      %mul3A_74 = arith.muli %arg1, %mul3A_73 : i32
      %add3A_75 = arith.constant 960 : i32
      %add3A_76 = arith.addi %mul3A_74, %add3A_75 : i32
      "tpu.region"() ({
        %run_scoped3A = tpu.sem_alloc : memref<!tpu.dma_semaphore, #tpu.memory_space<semaphore_mem>>
        %dma_start3A_77 = arith.constant 0 : i32
        %dma_start3A_78 = arith.constant 0 : i32
        %dma_start3A_79 = tpu.memref_slice %arg9[%dma_start3A_77, %dma_start3A_78] : memref<192x128xf32, #tpu.memory_space<vmem>> -> memref<40x128xf32, #tpu.memory_space<vmem>>
        %dma_start3A_80 = arith.constant 0 : i32
        %dma_start3A_81 = tpu.memref_slice %arg13[%add3A_76, %dma_start3A_80] : memref<10000x128xf32, #tpu.memory_space<vmem_shared>> -> memref<40x128xf32, #tpu.memory_space<vmem_shared>>
        %dma_start3A_82 = arith.constant 0 : i32
        %dma_start3A_83 = tpu.memref_slice %arg13[%add3A_76, %dma_start3A_82] : memref<10000x128xf32, #tpu.memory_space<vmem_shared>> -> memref<40x128xf32, #tpu.memory_space<vmem_shared>>
        %dma_start3A_84 = arith.constant 0 : i32
        %dma_start3A_85 = arith.constant 0 : i32
        %dma_start3A_86 = tpu.memref_slice %arg9[%dma_start3A_84, %dma_start3A_85] : memref<192x128xf32, #tpu.memory_space<vmem>> -> memref<40x128xf32, #tpu.memory_space<vmem>>
        tpu.enqueue_dma source(%dma_start3A_86 : memref<40x128xf32, #tpu.memory_space<vmem>>) target(%dma_start3A_83 : memref<40x128xf32, #tpu.memory_space<vmem_shared>>) target_semaphore(%run_scoped3A : memref<!tpu.dma_semaphore, #tpu.memory_space<semaphore_mem>>)
        %dma_wait3A_87 = arith.constant 0 : i32
        %dma_wait3A_88 = arith.constant 0 : i32
        %dma_wait3A_89 = tpu.memref_slice %arg9[%dma_wait3A_87, %dma_wait3A_88] : memref<192x128xf32, #tpu.memory_space<vmem>> -> memref<40x128xf32, #tpu.memory_space<vmem>>
        %dma_wait3A_90 = arith.constant 0 : i32
        %dma_wait3A_91 = tpu.memref_slice %arg13[%add3A_76, %dma_wait3A_90] : memref<10000x128xf32, #tpu.memory_space<vmem_shared>> -> memref<40x128xf32, #tpu.memory_space<vmem_shared>>
        %dma_wait3A_92 = arith.constant 0 : i32
        %dma_wait3A_93 = tpu.memref_slice %arg13[%add3A_76, %dma_wait3A_92] : memref<10000x128xf32, #tpu.memory_space<vmem_shared>> -> memref<40x128xf32, #tpu.memory_space<vmem_shared>>
        %dma_wait3A_94 = arith.constant 0 : i32
        %dma_wait3A_95 = arith.constant 0 : i32
        %dma_wait3A_96 = tpu.memref_slice %arg9[%dma_wait3A_94, %dma_wait3A_95] : memref<192x128xf32, #tpu.memory_space<vmem>> -> memref<40x128xf32, #tpu.memory_space<vmem>>
        tpu.wait_dma2 semaphore(%run_scoped3A : memref<!tpu.dma_semaphore, #tpu.memory_space<semaphore_mem>>) src(%dma_wait3A_96 : memref<40x128xf32, #tpu.memory_space<vmem>>) dst(%dma_wait3A_93 : memref<40x128xf32, #tpu.memory_space<vmem_shared>>)
        tpu.yield
      }) : () -> ()
    } else {
    }
    %barrier3A = arith.constant 0 : index
    tpu.barrier barrier_id(%barrier3A)
    %mul3A_9 = arith.constant 10000 : i32
    %mul3A_10 = arith.muli %add3A, %mul3A_9 : i32
    %scan3A_11 = arith.constant 0 : i32
    %scan3A_12 = arith.constant 0 : i32
    %scan3A_13 = arith.constant 52 : i32
    %scan3A_14 = arith.addi %scan3A_12, %scan3A_13 : i32
    %scan3A_15 = arith.constant 1 : i32
    scf.for %scan3A_53 = %scan3A_12 to %scan3A_14 step %scan3A_15  : i32 {
      %mul3A_54 = arith.constant 192 : i32
      %mul3A_55 = arith.muli %scan3A_53, %mul3A_54 : i32
      %add3A_56 = arith.addi %mul3A_10, %mul3A_55 : i32
      %dma_start3A_57 = tpu.memref_slice %arg4[%add3A_56] : memref<320000xi32, #tpu.memory_space<hbm>> -> memref<192xi32, #tpu.memory_space<hbm>>
      %dma_start3A_58 = tpu.memref_slice %arg4[%add3A_56] : memref<320000xi32, #tpu.memory_space<hbm>> -> memref<192xi32, #tpu.memory_space<hbm>>
      tpu.enqueue_dma source(%dma_start3A_58 : memref<192xi32, #tpu.memory_space<hbm>>) target(%arg7 : memref<192xi32, #tpu.memory_space<vmem>>) target_semaphore(%arg14 : memref<!tpu.dma_semaphore, #tpu.memory_space<semaphore_mem>>)
      %dma_start3A_59 = tpu.memref_slice %arg5[%add3A_56] : memref<320000xi32, #tpu.memory_space<hbm>> -> memref<192xi32, #tpu.memory_space<hbm>>
      %dma_start3A_60 = tpu.memref_slice %arg5[%add3A_56] : memref<320000xi32, #tpu.memory_space<hbm>> -> memref<192xi32, #tpu.memory_space<hbm>>
      tpu.enqueue_dma source(%dma_start3A_60 : memref<192xi32, #tpu.memory_space<hbm>>) target(%arg8 : memref<192xi32, #tpu.memory_space<vmem>>) target_semaphore(%arg15 : memref<!tpu.dma_semaphore, #tpu.memory_space<semaphore_mem>>)
      %dma_wait3A_61 = tpu.memref_slice %arg4[%add3A_56] : memref<320000xi32, #tpu.memory_space<hbm>> -> memref<192xi32, #tpu.memory_space<hbm>>
      %dma_wait3A_62 = tpu.memref_slice %arg4[%add3A_56] : memref<320000xi32, #tpu.memory_space<hbm>> -> memref<192xi32, #tpu.memory_space<hbm>>
      tpu.wait_dma2 semaphore(%arg14 : memref<!tpu.dma_semaphore, #tpu.memory_space<semaphore_mem>>) src(%dma_wait3A_62 : memref<192xi32, #tpu.memory_space<hbm>>) dst(%arg7 : memref<192xi32, #tpu.memory_space<vmem>>)
      %dma_wait3A_63 = tpu.memref_slice %arg5[%add3A_56] : memref<320000xi32, #tpu.memory_space<hbm>> -> memref<192xi32, #tpu.memory_space<hbm>>
      %dma_wait3A_64 = tpu.memref_slice %arg5[%add3A_56] : memref<320000xi32, #tpu.memory_space<hbm>> -> memref<192xi32, #tpu.memory_space<hbm>>
      tpu.wait_dma2 semaphore(%arg15 : memref<!tpu.dma_semaphore, #tpu.memory_space<semaphore_mem>>) src(%dma_wait3A_64 : memref<192xi32, #tpu.memory_space<hbm>>) dst(%arg8 : memref<192xi32, #tpu.memory_space<vmem>>)
      %dma_start3A_65 = arith.constant 0 : i32
      %dma_start3A_66 = arith.constant 0 : i32
      %dma_start3A_67 = tpu.memref_slice %arg2[%dma_start3A_65, %dma_start3A_66] : memref<10000x128xf32, #tpu.memory_space<hbm>> -> memref<10000x128xf32, #tpu.memory_space<hbm>>
      tpu.enqueue_indirect_dma source(%dma_start3A_67 : memref<10000x128xf32, #tpu.memory_space<hbm>>) target(%arg9 : memref<192x128xf32, #tpu.memory_space<vmem>>) offsets(%arg7 : memref<192xi32, #tpu.memory_space<vmem>>) semaphore(%arg14 : memref<!tpu.dma_semaphore, #tpu.memory_space<semaphore_mem>>)
      %dma_start3A_68 = arith.constant 0 : i32
      %dma_start3A_69 = arith.constant 0 : i32
      %dma_start3A_70 = tpu.memref_slice %arg3[%dma_start3A_68, %dma_start3A_69] : memref<10000x128xf32, #tpu.memory_space<hbm>> -> memref<10000x128xf32, #tpu.memory_space<hbm>>
      tpu.enqueue_indirect_dma source(%dma_start3A_70 : memref<10000x128xf32, #tpu.memory_space<hbm>>) target(%arg10 : memref<192x128xf32, #tpu.memory_space<vmem>>) offsets(%arg8 : memref<192xi32, #tpu.memory_space<vmem>>) semaphore(%arg15 : memref<!tpu.dma_semaphore, #tpu.memory_space<semaphore_mem>>)
      %dma_wait3A_71 = arith.constant 0 : i32
      %dma_wait3A_72 = arith.constant 0 : i32
      %dma_wait3A_73 = tpu.memref_slice %arg2[%dma_wait3A_71, %dma_wait3A_72] : memref<10000x128xf32, #tpu.memory_space<hbm>> -> memref<10000x128xf32, #tpu.memory_space<hbm>>
      tpu.wait_indirect_dma semaphore(%arg14 : memref<!tpu.dma_semaphore, #tpu.memory_space<semaphore_mem>>) src(%dma_wait3A_73 : memref<10000x128xf32, #tpu.memory_space<hbm>>) dst(%arg9 : memref<192x128xf32, #tpu.memory_space<vmem>>)
      %dma_wait3A_74 = arith.constant 0 : i32
      %dma_wait3A_75 = arith.constant 0 : i32
      %dma_wait3A_76 = tpu.memref_slice %arg3[%dma_wait3A_74, %dma_wait3A_75] : memref<10000x128xf32, #tpu.memory_space<hbm>> -> memref<10000x128xf32, #tpu.memory_space<hbm>>
      tpu.wait_indirect_dma semaphore(%arg15 : memref<!tpu.dma_semaphore, #tpu.memory_space<semaphore_mem>>) src(%dma_wait3A_76 : memref<10000x128xf32, #tpu.memory_space<hbm>>) dst(%arg10 : memref<192x128xf32, #tpu.memory_space<vmem>>)
      %scan3A_77 = arith.constant 0 : i32
      %scan3A_78 = arith.constant 0 : i32
      %scan3A_79 = arith.constant 192 : i32
      %scan3A_80 = arith.addi %scan3A_78, %scan3A_79 : i32
      %scan3A_81 = arith.constant 1 : i32
      scf.for %scan3A_83 = %scan3A_78 to %scan3A_80 step %scan3A_81  : i32 {
        %get3A = arith.index_cast %scan3A_83 : i32 to index
        %get3A_84 = arith.constant 0 : index
        %get3A_85 = tpu.vector_load %arg9[%get3A, %get3A_84] {strides = array<i32>} : memref<192x128xf32, #tpu.memory_space<vmem>>, vector<1x16xf32>,
        %get3A_86 = vector.shape_cast %get3A_85 : vector<1x16xf32> to vector<16xf32>
        %get3A_87 = arith.index_cast %scan3A_83 : i32 to index
        %get3A_88 = arith.constant 0 : index
        %get3A_89 = tpu.vector_load %arg10[%get3A_87, %get3A_88] {strides = array<i32>} : memref<192x128xf32, #tpu.memory_space<vmem>>, vector<1x16xf32>,
        %get3A_90 = vector.shape_cast %get3A_89 : vector<1x16xf32> to vector<16xf32>
        %add3A_91 = arith.addf %get3A_86, %get3A_90 : vector<16xf32>
        %max3A = arith.constant 0.000000e+00 : f32
        %max3A_92 = vector.broadcast %max3A : f32 to vector<16xf32>
        %max3A_93 = arith.maximumf %add3A_91, %max3A_92 : vector<16xf32>
        %swap3A = arith.index_cast %scan3A_83 : i32 to index
        %swap3A_94 = arith.constant 0 : index
        %swap3A_95 = tpu.vector_load %arg9[%swap3A, %swap3A_94] {strides = array<i32>} : memref<192x128xf32, #tpu.memory_space<vmem>>, vector<1x16xf32>,
        %swap3A_96 = vector.shape_cast %swap3A_95 : vector<1x16xf32> to vector<16xf32>
        %swap3A_97 = vector.shape_cast %max3A_93 : vector<16xf32> to vector<1x16xf32>
        tpu.vector_store %arg9[%swap3A, %swap3A_94], %swap3A_97 {strides = array<i32>} : memref<192x128xf32, #tpu.memory_space<vmem>>, vector<1x16xf32>,
        %get3A_98 = arith.index_cast %scan3A_83 : i32 to index
        %get3A_99 = arith.constant 16 : index
        %get3A_100 = tpu.vector_load %arg9[%get3A_98, %get3A_99] {strides = array<i32>} : memref<192x128xf32, #tpu.memory_space<vmem>>, vector<1x16xf32>,
        %get3A_101 = vector.shape_cast %get3A_100 : vector<1x16xf32> to vector<16xf32>
        %get3A_102 = arith.index_cast %scan3A_83 : i32 to index
        %get3A_103 = arith.constant 16 : index
        %get3A_104 = tpu.vector_load %arg10[%get3A_102, %get3A_103] {strides = array<i32>} : memref<192x128xf32, #tpu.memory_space<vmem>>, vector<1x16xf32>,
        %get3A_105 = vector.shape_cast %get3A_104 : vector<1x16xf32> to vector<16xf32>
        %add3A_106 = arith.addf %get3A_101, %get3A_105 : vector<16xf32>
        %max3A_107 = arith.constant 0.000000e+00 : f32
        %max3A_108 = vector.broadcast %max3A_107 : f32 to vector<16xf32>
        %max3A_109 = arith.maximumf %add3A_106, %max3A_108 : vector<16xf32>
        %swap3A_110 = arith.index_cast %scan3A_83 : i32 to index
        %swap3A_111 = arith.constant 16 : index
        %swap3A_112 = tpu.vector_load %arg9[%swap3A_110, %swap3A_111] {strides = array<i32>} : memref<192x128xf32, #tpu.memory_space<vmem>>, vector<1x16xf32>,
        %swap3A_113 = vector.shape_cast %swap3A_112 : vector<1x16xf32> to vector<16xf32>
        %swap3A_114 = vector.shape_cast %max3A_109 : vector<16xf32> to vector<1x16xf32>
        tpu.vector_store %arg9[%swap3A_110, %swap3A_111], %swap3A_114 {strides = array<i32>} : memref<192x128xf32, #tpu.memory_space<vmem>>, vector<1x16xf32>,
        %get3A_115 = arith.index_cast %scan3A_83 : i32 to index
        %get3A_116 = arith.constant 32 : index
        %get3A_117 = tpu.vector_load %arg9[%get3A_115, %get3A_116] {strides = array<i32>} : memref<192x128xf32, #tpu.memory_space<vmem>>, vector<1x16xf32>,
        %get3A_118 = vector.shape_cast %get3A_117 : vector<1x16xf32> to vector<16xf32>
        %get3A_119 = arith.index_cast %scan3A_83 : i32 to index
        %get3A_120 = arith.constant 32 : index
        %get3A_121 = tpu.vector_load %arg10[%get3A_119, %get3A_120] {strides = array<i32>} : memref<192x128xf32, #tpu.memory_space<vmem>>, vector<1x16xf32>,
        %get3A_122 = vector.shape_cast %get3A_121 : vector<1x16xf32> to vector<16xf32>
        %add3A_123 = arith.addf %get3A_118, %get3A_122 : vector<16xf32>
        %max3A_124 = arith.constant 0.000000e+00 : f32
        %max3A_125 = vector.broadcast %max3A_124 : f32 to vector<16xf32>
        %max3A_126 = arith.maximumf %add3A_123, %max3A_125 : vector<16xf32>
        %swap3A_127 = arith.index_cast %scan3A_83 : i32 to index
        %swap3A_128 = arith.constant 32 : index
        %swap3A_129 = tpu.vector_load %arg9[%swap3A_127, %swap3A_128] {strides = array<i32>} : memref<192x128xf32, #tpu.memory_space<vmem>>, vector<1x16xf32>,
        %swap3A_130 = vector.shape_cast %swap3A_129 : vector<1x16xf32> to vector<16xf32>
        %swap3A_131 = vector.shape_cast %max3A_126 : vector<16xf32> to vector<1x16xf32>
        tpu.vector_store %arg9[%swap3A_127, %swap3A_128], %swap3A_131 {strides = array<i32>} : memref<192x128xf32, #tpu.memory_space<vmem>>, vector<1x16xf32>,
        %get3A_132 = arith.index_cast %scan3A_83 : i32 to index
        %get3A_133 = arith.constant 48 : index
        %get3A_134 = tpu.vector_load %arg9[%get3A_132, %get3A_133] {strides = array<i32>} : memref<192x128xf32, #tpu.memory_space<vmem>>, vector<1x16xf32>,
        %get3A_135 = vector.shape_cast %get3A_134 : vector<1x16xf32> to vector<16xf32>
        %get3A_136 = arith.index_cast %scan3A_83 : i32 to index
        %get3A_137 = arith.constant 48 : index
        %get3A_138 = tpu.vector_load %arg10[%get3A_136, %get3A_137] {strides = array<i32>} : memref<192x128xf32, #tpu.memory_space<vmem>>, vector<1x16xf32>,
        %get3A_139 = vector.shape_cast %get3A_138 : vector<1x16xf32> to vector<16xf32>
        %add3A_140 = arith.addf %get3A_135, %get3A_139 : vector<16xf32>
        %max3A_141 = arith.constant 0.000000e+00 : f32
        %max3A_142 = vector.broadcast %max3A_141 : f32 to vector<16xf32>
        %max3A_143 = arith.maximumf %add3A_140, %max3A_142 : vector<16xf32>
        %swap3A_144 = arith.index_cast %scan3A_83 : i32 to index
        %swap3A_145 = arith.constant 48 : index
        %swap3A_146 = tpu.vector_load %arg9[%swap3A_144, %swap3A_145] {strides = array<i32>} : memref<192x128xf32, #tpu.memory_space<vmem>>, vector<1x16xf32>,
        %swap3A_147 = vector.shape_cast %swap3A_146 : vector<1x16xf32> to vector<16xf32>
        %swap3A_148 = vector.shape_cast %max3A_143 : vector<16xf32> to vector<1x16xf32>
        tpu.vector_store %arg9[%swap3A_144, %swap3A_145], %swap3A_148 {strides = array<i32>} : memref<192x128xf32, #tpu.memory_space<vmem>>, vector<1x16xf32>,
        %get3A_149 = arith.index_cast %scan3A_83 : i32 to index
        %get3A_150 = arith.constant 64 : index
        %get3A_151 = tpu.vector_load %arg9[%get3A_149, %get3A_150] {strides = array<i32>} : memref<192x128xf32, #tpu.memory_space<vmem>>, vector<1x16xf32>,
        %get3A_152 = vector.shape_cast %get3A_151 : vector<1x16xf32> to vector<16xf32>
        %get3A_153 = arith.index_cast %scan3A_83 : i32 to index
        %get3A_154 = arith.constant 64 : index
        %get3A_155 = tpu.vector_load %arg10[%get3A_153, %get3A_154] {strides = array<i32>} : memref<192x128xf32, #tpu.memory_space<vmem>>, vector<1x16xf32>,
        %get3A_156 = vector.shape_cast %get3A_155 : vector<1x16xf32> to vector<16xf32>
        %add3A_157 = arith.addf %get3A_152, %get3A_156 : vector<16xf32>
        %max3A_158 = arith.constant 0.000000e+00 : f32
        %max3A_159 = vector.broadcast %max3A_158 : f32 to vector<16xf32>
        %max3A_160 = arith.maximumf %add3A_157, %max3A_159 : vector<16xf32>
        %swap3A_161 = arith.index_cast %scan3A_83 : i32 to index
        %swap3A_162 = arith.constant 64 : index
        %swap3A_163 = tpu.vector_load %arg9[%swap3A_161, %swap3A_162] {strides = array<i32>} : memref<192x128xf32, #tpu.memory_space<vmem>>, vector<1x16xf32>,
        %swap3A_164 = vector.shape_cast %swap3A_163 : vector<1x16xf32> to vector<16xf32>
        %swap3A_165 = vector.shape_cast %max3A_160 : vector<16xf32> to vector<1x16xf32>
        tpu.vector_store %arg9[%swap3A_161, %swap3A_162], %swap3A_165 {strides = array<i32>} : memref<192x128xf32, #tpu.memory_space<vmem>>, vector<1x16xf32>,
        %get3A_166 = arith.index_cast %scan3A_83 : i32 to index
        %get3A_167 = arith.constant 80 : index
        %get3A_168 = tpu.vector_load %arg9[%get3A_166, %get3A_167] {strides = array<i32>} : memref<192x128xf32, #tpu.memory_space<vmem>>, vector<1x16xf32>,
        %get3A_169 = vector.shape_cast %get3A_168 : vector<1x16xf32> to vector<16xf32>
        %get3A_170 = arith.index_cast %scan3A_83 : i32 to index
        %get3A_171 = arith.constant 80 : index
        %get3A_172 = tpu.vector_load %arg10[%get3A_170, %get3A_171] {strides = array<i32>} : memref<192x128xf32, #tpu.memory_space<vmem>>, vector<1x16xf32>,
        %get3A_173 = vector.shape_cast %get3A_172 : vector<1x16xf32> to vector<16xf32>
        %add3A_174 = arith.addf %get3A_169, %get3A_173 : vector<16xf32>
        %max3A_175 = arith.constant 0.000000e+00 : f32
        %max3A_176 = vector.broadcast %max3A_175 : f32 to vector<16xf32>
        %max3A_177 = arith.maximumf %add3A_174, %max3A_176 : vector<16xf32>
        %swap3A_178 = arith.index_cast %scan3A_83 : i32 to index
        %swap3A_179 = arith.constant 80 : index
        %swap3A_180 = tpu.vector_load %arg9[%swap3A_178, %swap3A_179] {strides = array<i32>} : memref<192x128xf32, #tpu.memory_space<vmem>>, vector<1x16xf32>,
        %swap3A_181 = vector.shape_cast %swap3A_180 : vector<1x16xf32> to vector<16xf32>
        %swap3A_182 = vector.shape_cast %max3A_177 : vector<16xf32> to vector<1x16xf32>
        tpu.vector_store %arg9[%swap3A_178, %swap3A_179], %swap3A_182 {strides = array<i32>} : memref<192x128xf32, #tpu.memory_space<vmem>>, vector<1x16xf32>,
        %get3A_183 = arith.index_cast %scan3A_83 : i32 to index
        %get3A_184 = arith.constant 96 : index
        %get3A_185 = tpu.vector_load %arg9[%get3A_183, %get3A_184] {strides = array<i32>} : memref<192x128xf32, #tpu.memory_space<vmem>>, vector<1x16xf32>,
        %get3A_186 = vector.shape_cast %get3A_185 : vector<1x16xf32> to vector<16xf32>
        %get3A_187 = arith.index_cast %scan3A_83 : i32 to index
        %get3A_188 = arith.constant 96 : index
        %get3A_189 = tpu.vector_load %arg10[%get3A_187, %get3A_188] {strides = array<i32>} : memref<192x128xf32, #tpu.memory_space<vmem>>, vector<1x16xf32>,
        %get3A_190 = vector.shape_cast %get3A_189 : vector<1x16xf32> to vector<16xf32>
        %add3A_191 = arith.addf %get3A_186, %get3A_190 : vector<16xf32>
        %max3A_192 = arith.constant 0.000000e+00 : f32
        %max3A_193 = vector.broadcast %max3A_192 : f32 to vector<16xf32>
        %max3A_194 = arith.maximumf %add3A_191, %max3A_193 : vector<16xf32>
        %swap3A_195 = arith.index_cast %scan3A_83 : i32 to index
        %swap3A_196 = arith.constant 96 : index
        %swap3A_197 = tpu.vector_load %arg9[%swap3A_195, %swap3A_196] {strides = array<i32>} : memref<192x128xf32, #tpu.memory_space<vmem>>, vector<1x16xf32>,
        %swap3A_198 = vector.shape_cast %swap3A_197 : vector<1x16xf32> to vector<16xf32>
        %swap3A_199 = vector.shape_cast %max3A_194 : vector<16xf32> to vector<1x16xf32>
        tpu.vector_store %arg9[%swap3A_195, %swap3A_196], %swap3A_199 {strides = array<i32>} : memref<192x128xf32, #tpu.memory_space<vmem>>, vector<1x16xf32>,
        %get3A_200 = arith.index_cast %scan3A_83 : i32 to index
        %get3A_201 = arith.constant 112 : index
        %get3A_202 = tpu.vector_load %arg9[%get3A_200, %get3A_201] {strides = array<i32>} : memref<192x128xf32, #tpu.memory_space<vmem>>, vector<1x16xf32>,
        %get3A_203 = vector.shape_cast %get3A_202 : vector<1x16xf32> to vector<16xf32>
        %get3A_204 = arith.index_cast %scan3A_83 : i32 to index
        %get3A_205 = arith.constant 112 : index
        %get3A_206 = tpu.vector_load %arg10[%get3A_204, %get3A_205] {strides = array<i32>} : memref<192x128xf32, #tpu.memory_space<vmem>>, vector<1x16xf32>,
        %get3A_207 = vector.shape_cast %get3A_206 : vector<1x16xf32> to vector<16xf32>
        %add3A_208 = arith.addf %get3A_203, %get3A_207 : vector<16xf32>
        %max3A_209 = arith.constant 0.000000e+00 : f32
        %max3A_210 = vector.broadcast %max3A_209 : f32 to vector<16xf32>
        %max3A_211 = arith.maximumf %add3A_208, %max3A_210 : vector<16xf32>
        %swap3A_212 = arith.index_cast %scan3A_83 : i32 to index
        %swap3A_213 = arith.constant 112 : index
        %swap3A_214 = tpu.vector_load %arg9[%swap3A_212, %swap3A_213] {strides = array<i32>} : memref<192x128xf32, #tpu.memory_space<vmem>>, vector<1x16xf32>,
        %swap3A_215 = vector.shape_cast %swap3A_214 : vector<1x16xf32> to vector<16xf32>
        %swap3A_216 = vector.shape_cast %max3A_211 : vector<16xf32> to vector<1x16xf32>
        tpu.vector_store %arg9[%swap3A_212, %swap3A_213], %swap3A_216 {strides = array<i32>} : memref<192x128xf32, #tpu.memory_space<vmem>>, vector<1x16xf32>,
      }
      %scan3A_82 = arith.constant 192 : i32
      "tpu.region"() ({
        %run_scoped3A = tpu.sem_alloc : memref<!tpu.dma_semaphore, #tpu.memory_space<semaphore_mem>>
        %dma_start3A_83 = arith.constant 0 : i32
        %dma_start3A_84 = arith.constant 0 : i32
        %dma_start3A_85 = tpu.memref_slice %arg13[%dma_start3A_83, %dma_start3A_84] : memref<10000x128xf32, #tpu.memory_space<vmem_shared>> -> memref<10000x128xf32, #tpu.memory_space<vmem_shared>>
        tpu.enqueue_indirect_dma source(%arg9 : memref<192x128xf32, #tpu.memory_space<vmem>>) target(%dma_start3A_85 : memref<10000x128xf32, #tpu.memory_space<vmem_shared>>) offsets(%arg8 : memref<192xi32, #tpu.memory_space<vmem>>) semaphore(%run_scoped3A : memref<!tpu.dma_semaphore, #tpu.memory_space<semaphore_mem>>) {add = true}
        %dma_wait3A_86 = arith.constant 0 : i32
        %dma_wait3A_87 = arith.constant 0 : i32
        %dma_wait3A_88 = tpu.memref_slice %arg13[%dma_wait3A_86, %dma_wait3A_87] : memref<10000x128xf32, #tpu.memory_space<vmem_shared>> -> memref<10000x128xf32, #tpu.memory_space<vmem_shared>>
        tpu.wait_indirect_dma semaphore(%run_scoped3A : memref<!tpu.dma_semaphore, #tpu.memory_space<semaphore_mem>>) src(%arg9 : memref<192x128xf32, #tpu.memory_space<vmem>>) dst(%dma_wait3A_88 : memref<10000x128xf32, #tpu.memory_space<vmem_shared>>)
        tpu.yield
      }) : () -> ()
    }
    %scan3A_16 = arith.constant 52 : i32
    %add3A_17 = arith.constant 9984 : i32
    %add3A_18 = arith.addi %mul3A_10, %add3A_17 : i32
    "tpu.region"() ({
      %run_scoped3A = tpu.sem_alloc : memref<!tpu.dma_semaphore, #tpu.memory_space<semaphore_mem>>
      %dma_start3A_53 = tpu.memref_slice %arg4[%add3A_18] : memref<320000xi32, #tpu.memory_space<hbm>> -> memref<16xi32, #tpu.memory_space<hbm>>
      %dma_start3A_54 = tpu.memref_slice %arg4[%add3A_18] : memref<320000xi32, #tpu.memory_space<hbm>> -> memref<16xi32, #tpu.memory_space<hbm>>
      tpu.enqueue_dma source(%dma_start3A_54 : memref<16xi32, #tpu.memory_space<hbm>>) target(%arg11 : memref<16xi32, #tpu.memory_space<vmem>>) target_semaphore(%run_scoped3A : memref<!tpu.dma_semaphore, #tpu.memory_space<semaphore_mem>>)
      %dma_wait3A_55 = tpu.memref_slice %arg4[%add3A_18] : memref<320000xi32, #tpu.memory_space<hbm>> -> memref<16xi32, #tpu.memory_space<hbm>>
      %dma_wait3A_56 = tpu.memref_slice %arg4[%add3A_18] : memref<320000xi32, #tpu.memory_space<hbm>> -> memref<16xi32, #tpu.memory_space<hbm>>
      tpu.wait_dma2 semaphore(%run_scoped3A : memref<!tpu.dma_semaphore, #tpu.memory_space<semaphore_mem>>) src(%dma_wait3A_56 : memref<16xi32, #tpu.memory_space<hbm>>) dst(%arg11 : memref<16xi32, #tpu.memory_space<vmem>>)
      tpu.yield
    }) : () -> ()
    "tpu.region"() ({
      %run_scoped3A = tpu.sem_alloc : memref<!tpu.dma_semaphore, #tpu.memory_space<semaphore_mem>>
      %dma_start3A_53 = tpu.memref_slice %arg5[%add3A_18] : memref<320000xi32, #tpu.memory_space<hbm>> -> memref<16xi32, #tpu.memory_space<hbm>>
      %dma_start3A_54 = tpu.memref_slice %arg5[%add3A_18] : memref<320000xi32, #tpu.memory_space<hbm>> -> memref<16xi32, #tpu.memory_space<hbm>>
      tpu.enqueue_dma source(%dma_start3A_54 : memref<16xi32, #tpu.memory_space<hbm>>) target(%arg12 : memref<16xi32, #tpu.memory_space<vmem>>) target_semaphore(%run_scoped3A : memref<!tpu.dma_semaphore, #tpu.memory_space<semaphore_mem>>)
      %dma_wait3A_55 = tpu.memref_slice %arg5[%add3A_18] : memref<320000xi32, #tpu.memory_space<hbm>> -> memref<16xi32, #tpu.memory_space<hbm>>
      %dma_wait3A_56 = tpu.memref_slice %arg5[%add3A_18] : memref<320000xi32, #tpu.memory_space<hbm>> -> memref<16xi32, #tpu.memory_space<hbm>>
      tpu.wait_dma2 semaphore(%run_scoped3A : memref<!tpu.dma_semaphore, #tpu.memory_space<semaphore_mem>>) src(%dma_wait3A_56 : memref<16xi32, #tpu.memory_space<hbm>>) dst(%arg12 : memref<16xi32, #tpu.memory_space<vmem>>)
      tpu.yield
    }) : () -> ()
    %dma_start3A = arith.constant 0 : i32
    %dma_start3A_19 = arith.constant 0 : i32
    %dma_start3A_20 = tpu.memref_slice %arg9[%dma_start3A, %dma_start3A_19] : memref<192x128xf32, #tpu.memory_space<vmem>> -> memref<16x128xf32, #tpu.memory_space<vmem>>
    %dma_start3A_21 = arith.constant 0 : i32
    %dma_start3A_22 = arith.constant 0 : i32
    %dma_start3A_23 = tpu.memref_slice %arg2[%dma_start3A_21, %dma_start3A_22] : memref<10000x128xf32, #tpu.memory_space<hbm>> -> memref<10000x128xf32, #tpu.memory_space<hbm>>
    tpu.enqueue_indirect_dma source(%dma_start3A_23 : memref<10000x128xf32, #tpu.memory_space<hbm>>) target(%dma_start3A_20 : memref<16x128xf32, #tpu.memory_space<vmem>>) offsets(%arg11 : memref<16xi32, #tpu.memory_space<vmem>>) semaphore(%arg14 : memref<!tpu.dma_semaphore, #tpu.memory_space<semaphore_mem>>)
    %dma_start3A_24 = arith.constant 0 : i32
    %dma_start3A_25 = arith.constant 0 : i32
    %dma_start3A_26 = tpu.memref_slice %arg10[%dma_start3A_24, %dma_start3A_25] : memref<192x128xf32, #tpu.memory_space<vmem>> -> memref<16x128xf32, #tpu.memory_space<vmem>>
    %dma_start3A_27 = arith.constant 0 : i32
    %dma_start3A_28 = arith.constant 0 : i32
    %dma_start3A_29 = tpu.memref_slice %arg3[%dma_start3A_27, %dma_start3A_28] : memref<10000x128xf32, #tpu.memory_space<hbm>> -> memref<10000x128xf32, #tpu.memory_space<hbm>>
    tpu.enqueue_indirect_dma source(%dma_start3A_29 : memref<10000x128xf32, #tpu.memory_space<hbm>>) target(%dma_start3A_26 : memref<16x128xf32, #tpu.memory_space<vmem>>) offsets(%arg12 : memref<16xi32, #tpu.memory_space<vmem>>) semaphore(%arg15 : memref<!tpu.dma_semaphore, #tpu.memory_space<semaphore_mem>>)
    %dma_wait3A = arith.constant 0 : i32
    %dma_wait3A_30 = arith.constant 0 : i32
    %dma_wait3A_31 = tpu.memref_slice %arg9[%dma_wait3A, %dma_wait3A_30] : memref<192x128xf32, #tpu.memory_space<vmem>> -> memref<16x128xf32, #tpu.memory_space<vmem>>
    %dma_wait3A_32 = arith.constant 0 : i32
    %dma_wait3A_33 = arith.constant 0 : i32
    %dma_wait3A_34 = tpu.memref_slice %arg2[%dma_wait3A_32, %dma_wait3A_33] : memref<10000x128xf32, #tpu.memory_space<hbm>> -> memref<10000x128xf32, #tpu.memory_space<hbm>>
    tpu.wait_indirect_dma semaphore(%arg14 : memref<!tpu.dma_semaphore, #tpu.memory_space<semaphore_mem>>) src(%dma_wait3A_34 : memref<10000x128xf32, #tpu.memory_space<hbm>>) dst(%dma_wait3A_31 : memref<16x128xf32, #tpu.memory_space<vmem>>)
    %dma_wait3A_35 = arith.constant 0 : i32
    %dma_wait3A_36 = arith.constant 0 : i32
    %dma_wait3A_37 = tpu.memref_slice %arg10[%dma_wait3A_35, %dma_wait3A_36] : memref<192x128xf32, #tpu.memory_space<vmem>> -> memref<16x128xf32, #tpu.memory_space<vmem>>
    %dma_wait3A_38 = arith.constant 0 : i32
    %dma_wait3A_39 = arith.constant 0 : i32
    %dma_wait3A_40 = tpu.memref_slice %arg3[%dma_wait3A_38, %dma_wait3A_39] : memref<10000x128xf32, #tpu.memory_space<hbm>> -> memref<10000x128xf32, #tpu.memory_space<hbm>>
    tpu.wait_indirect_dma semaphore(%arg15 : memref<!tpu.dma_semaphore, #tpu.memory_space<semaphore_mem>>) src(%dma_wait3A_40 : memref<10000x128xf32, #tpu.memory_space<hbm>>) dst(%dma_wait3A_37 : memref<16x128xf32, #tpu.memory_space<vmem>>)
    %scan3A_41 = arith.constant 0 : i32
    %scan3A_42 = arith.constant 0 : i32
    %scan3A_43 = arith.constant 16 : i32
    %scan3A_44 = arith.addi %scan3A_42, %scan3A_43 : i32
    %scan3A_45 = arith.constant 1 : i32
    scf.for %scan3A_53 = %scan3A_42 to %scan3A_44 step %scan3A_45  : i32 {
      %get3A = arith.index_cast %scan3A_53 : i32 to index
      %get3A_54 = arith.constant 0 : index
      %get3A_55 = tpu.vector_load %arg9[%get3A, %get3A_54] {strides = array<i32>} : memref<192x128xf32, #tpu.memory_space<vmem>>, vector<1x16xf32>,
      %get3A_56 = vector.shape_cast %get3A_55 : vector<1x16xf32> to vector<16xf32>
      %get3A_57 = arith.index_cast %scan3A_53 : i32 to index
      %get3A_58 = arith.constant 0 : index
      %get3A_59 = tpu.vector_load %arg10[%get3A_57, %get3A_58] {strides = array<i32>} : memref<192x128xf32, #tpu.memory_space<vmem>>, vector<1x16xf32>,
      %get3A_60 = vector.shape_cast %get3A_59 : vector<1x16xf32> to vector<16xf32>
      %add3A_61 = arith.addf %get3A_56, %get3A_60 : vector<16xf32>
      %max3A = arith.constant 0.000000e+00 : f32
      %max3A_62 = vector.broadcast %max3A : f32 to vector<16xf32>
      %max3A_63 = arith.maximumf %add3A_61, %max3A_62 : vector<16xf32>
      %swap3A = arith.index_cast %scan3A_53 : i32 to index
      %swap3A_64 = arith.constant 0 : index
      %swap3A_65 = tpu.vector_load %arg9[%swap3A, %swap3A_64] {strides = array<i32>} : memref<192x128xf32, #tpu.memory_space<vmem>>, vector<1x16xf32>,
      %swap3A_66 = vector.shape_cast %swap3A_65 : vector<1x16xf32> to vector<16xf32>
      %swap3A_67 = vector.shape_cast %max3A_63 : vector<16xf32> to vector<1x16xf32>
      tpu.vector_store %arg9[%swap3A, %swap3A_64], %swap3A_67 {strides = array<i32>} : memref<192x128xf32, #tpu.memory_space<vmem>>, vector<1x16xf32>,
      %get3A_68 = arith.index_cast %scan3A_53 : i32 to index
      %get3A_69 = arith.constant 16 : index
      %get3A_70 = tpu.vector_load %arg9[%get3A_68, %get3A_69] {strides = array<i32>} : memref<192x128xf32, #tpu.memory_space<vmem>>, vector<1x16xf32>,
      %get3A_71 = vector.shape_cast %get3A_70 : vector<1x16xf32> to vector<16xf32>
      %get3A_72 = arith.index_cast %scan3A_53 : i32 to index
      %get3A_73 = arith.constant 16 : index
      %get3A_74 = tpu.vector_load %arg10[%get3A_72, %get3A_73] {strides = array<i32>} : memref<192x128xf32, #tpu.memory_space<vmem>>, vector<1x16xf32>,
      %get3A_75 = vector.shape_cast %get3A_74 : vector<1x16xf32> to vector<16xf32>
      %add3A_76 = arith.addf %get3A_71, %get3A_75 : vector<16xf32>
      %max3A_77 = arith.constant 0.000000e+00 : f32
      %max3A_78 = vector.broadcast %max3A_77 : f32 to vector<16xf32>
      %max3A_79 = arith.maximumf %add3A_76, %max3A_78 : vector<16xf32>
      %swap3A_80 = arith.index_cast %scan3A_53 : i32 to index
      %swap3A_81 = arith.constant 16 : index
      %swap3A_82 = tpu.vector_load %arg9[%swap3A_80, %swap3A_81] {strides = array<i32>} : memref<192x128xf32, #tpu.memory_space<vmem>>, vector<1x16xf32>,
      %swap3A_83 = vector.shape_cast %swap3A_82 : vector<1x16xf32> to vector<16xf32>
      %swap3A_84 = vector.shape_cast %max3A_79 : vector<16xf32> to vector<1x16xf32>
      tpu.vector_store %arg9[%swap3A_80, %swap3A_81], %swap3A_84 {strides = array<i32>} : memref<192x128xf32, #tpu.memory_space<vmem>>, vector<1x16xf32>,
      %get3A_85 = arith.index_cast %scan3A_53 : i32 to index
      %get3A_86 = arith.constant 32 : index
      %get3A_87 = tpu.vector_load %arg9[%get3A_85, %get3A_86] {strides = array<i32>} : memref<192x128xf32, #tpu.memory_space<vmem>>, vector<1x16xf32>,
      %get3A_88 = vector.shape_cast %get3A_87 : vector<1x16xf32> to vector<16xf32>
      %get3A_89 = arith.index_cast %scan3A_53 : i32 to index
      %get3A_90 = arith.constant 32 : index
      %get3A_91 = tpu.vector_load %arg10[%get3A_89, %get3A_90] {strides = array<i32>} : memref<192x128xf32, #tpu.memory_space<vmem>>, vector<1x16xf32>,
      %get3A_92 = vector.shape_cast %get3A_91 : vector<1x16xf32> to vector<16xf32>
      %add3A_93 = arith.addf %get3A_88, %get3A_92 : vector<16xf32>
      %max3A_94 = arith.constant 0.000000e+00 : f32
      %max3A_95 = vector.broadcast %max3A_94 : f32 to vector<16xf32>
      %max3A_96 = arith.maximumf %add3A_93, %max3A_95 : vector<16xf32>
      %swap3A_97 = arith.index_cast %scan3A_53 : i32 to index
      %swap3A_98 = arith.constant 32 : index
      %swap3A_99 = tpu.vector_load %arg9[%swap3A_97, %swap3A_98] {strides = array<i32>} : memref<192x128xf32, #tpu.memory_space<vmem>>, vector<1x16xf32>,
      %swap3A_100 = vector.shape_cast %swap3A_99 : vector<1x16xf32> to vector<16xf32>
      %swap3A_101 = vector.shape_cast %max3A_96 : vector<16xf32> to vector<1x16xf32>
      tpu.vector_store %arg9[%swap3A_97, %swap3A_98], %swap3A_101 {strides = array<i32>} : memref<192x128xf32, #tpu.memory_space<vmem>>, vector<1x16xf32>,
      %get3A_102 = arith.index_cast %scan3A_53 : i32 to index
      %get3A_103 = arith.constant 48 : index
      %get3A_104 = tpu.vector_load %arg9[%get3A_102, %get3A_103] {strides = array<i32>} : memref<192x128xf32, #tpu.memory_space<vmem>>, vector<1x16xf32>,
      %get3A_105 = vector.shape_cast %get3A_104 : vector<1x16xf32> to vector<16xf32>
      %get3A_106 = arith.index_cast %scan3A_53 : i32 to index
      %get3A_107 = arith.constant 48 : index
      %get3A_108 = tpu.vector_load %arg10[%get3A_106, %get3A_107] {strides = array<i32>} : memref<192x128xf32, #tpu.memory_space<vmem>>, vector<1x16xf32>,
      %get3A_109 = vector.shape_cast %get3A_108 : vector<1x16xf32> to vector<16xf32>
      %add3A_110 = arith.addf %get3A_105, %get3A_109 : vector<16xf32>
      %max3A_111 = arith.constant 0.000000e+00 : f32
      %max3A_112 = vector.broadcast %max3A_111 : f32 to vector<16xf32>
      %max3A_113 = arith.maximumf %add3A_110, %max3A_112 : vector<16xf32>
      %swap3A_114 = arith.index_cast %scan3A_53 : i32 to index
      %swap3A_115 = arith.constant 48 : index
      %swap3A_116 = tpu.vector_load %arg9[%swap3A_114, %swap3A_115] {strides = array<i32>} : memref<192x128xf32, #tpu.memory_space<vmem>>, vector<1x16xf32>,
      %swap3A_117 = vector.shape_cast %swap3A_116 : vector<1x16xf32> to vector<16xf32>
      %swap3A_118 = vector.shape_cast %max3A_113 : vector<16xf32> to vector<1x16xf32>
      tpu.vector_store %arg9[%swap3A_114, %swap3A_115], %swap3A_118 {strides = array<i32>} : memref<192x128xf32, #tpu.memory_space<vmem>>, vector<1x16xf32>,
      %get3A_119 = arith.index_cast %scan3A_53 : i32 to index
      %get3A_120 = arith.constant 64 : index
      %get3A_121 = tpu.vector_load %arg9[%get3A_119, %get3A_120] {strides = array<i32>} : memref<192x128xf32, #tpu.memory_space<vmem>>, vector<1x16xf32>,
      %get3A_122 = vector.shape_cast %get3A_121 : vector<1x16xf32> to vector<16xf32>
      %get3A_123 = arith.index_cast %scan3A_53 : i32 to index
      %get3A_124 = arith.constant 64 : index
      %get3A_125 = tpu.vector_load %arg10[%get3A_123, %get3A_124] {strides = array<i32>} : memref<192x128xf32, #tpu.memory_space<vmem>>, vector<1x16xf32>,
      %get3A_126 = vector.shape_cast %get3A_125 : vector<1x16xf32> to vector<16xf32>
      %add3A_127 = arith.addf %get3A_122, %get3A_126 : vector<16xf32>
      %max3A_128 = arith.constant 0.000000e+00 : f32
      %max3A_129 = vector.broadcast %max3A_128 : f32 to vector<16xf32>
      %max3A_130 = arith.maximumf %add3A_127, %max3A_129 : vector<16xf32>
      %swap3A_131 = arith.index_cast %scan3A_53 : i32 to index
      %swap3A_132 = arith.constant 64 : index
      %swap3A_133 = tpu.vector_load %arg9[%swap3A_131, %swap3A_132] {strides = array<i32>} : memref<192x128xf32, #tpu.memory_space<vmem>>, vector<1x16xf32>,
      %swap3A_134 = vector.shape_cast %swap3A_133 : vector<1x16xf32> to vector<16xf32>
      %swap3A_135 = vector.shape_cast %max3A_130 : vector<16xf32> to vector<1x16xf32>
      tpu.vector_store %arg9[%swap3A_131, %swap3A_132], %swap3A_135 {strides = array<i32>} : memref<192x128xf32, #tpu.memory_space<vmem>>, vector<1x16xf32>,
      %get3A_136 = arith.index_cast %scan3A_53 : i32 to index
      %get3A_137 = arith.constant 80 : index
      %get3A_138 = tpu.vector_load %arg9[%get3A_136, %get3A_137] {strides = array<i32>} : memref<192x128xf32, #tpu.memory_space<vmem>>, vector<1x16xf32>,
      %get3A_139 = vector.shape_cast %get3A_138 : vector<1x16xf32> to vector<16xf32>
      %get3A_140 = arith.index_cast %scan3A_53 : i32 to index
      %get3A_141 = arith.constant 80 : index
      %get3A_142 = tpu.vector_load %arg10[%get3A_140, %get3A_141] {strides = array<i32>} : memref<192x128xf32, #tpu.memory_space<vmem>>, vector<1x16xf32>,
      %get3A_143 = vector.shape_cast %get3A_142 : vector<1x16xf32> to vector<16xf32>
      %add3A_144 = arith.addf %get3A_139, %get3A_143 : vector<16xf32>
      %max3A_145 = arith.constant 0.000000e+00 : f32
      %max3A_146 = vector.broadcast %max3A_145 : f32 to vector<16xf32>
      %max3A_147 = arith.maximumf %add3A_144, %max3A_146 : vector<16xf32>
      %swap3A_148 = arith.index_cast %scan3A_53 : i32 to index
      %swap3A_149 = arith.constant 80 : index
      %swap3A_150 = tpu.vector_load %arg9[%swap3A_148, %swap3A_149] {strides = array<i32>} : memref<192x128xf32, #tpu.memory_space<vmem>>, vector<1x16xf32>,
      %swap3A_151 = vector.shape_cast %swap3A_150 : vector<1x16xf32> to vector<16xf32>
      %swap3A_152 = vector.shape_cast %max3A_147 : vector<16xf32> to vector<1x16xf32>
      tpu.vector_store %arg9[%swap3A_148, %swap3A_149], %swap3A_152 {strides = array<i32>} : memref<192x128xf32, #tpu.memory_space<vmem>>, vector<1x16xf32>,
      %get3A_153 = arith.index_cast %scan3A_53 : i32 to index
      %get3A_154 = arith.constant 96 : index
      %get3A_155 = tpu.vector_load %arg9[%get3A_153, %get3A_154] {strides = array<i32>} : memref<192x128xf32, #tpu.memory_space<vmem>>, vector<1x16xf32>,
      %get3A_156 = vector.shape_cast %get3A_155 : vector<1x16xf32> to vector<16xf32>
      %get3A_157 = arith.index_cast %scan3A_53 : i32 to index
      %get3A_158 = arith.constant 96 : index
      %get3A_159 = tpu.vector_load %arg10[%get3A_157, %get3A_158] {strides = array<i32>} : memref<192x128xf32, #tpu.memory_space<vmem>>, vector<1x16xf32>,
      %get3A_160 = vector.shape_cast %get3A_159 : vector<1x16xf32> to vector<16xf32>
      %add3A_161 = arith.addf %get3A_156, %get3A_160 : vector<16xf32>
      %max3A_162 = arith.constant 0.000000e+00 : f32
      %max3A_163 = vector.broadcast %max3A_162 : f32 to vector<16xf32>
      %max3A_164 = arith.maximumf %add3A_161, %max3A_163 : vector<16xf32>
      %swap3A_165 = arith.index_cast %scan3A_53 : i32 to index
      %swap3A_166 = arith.constant 96 : index
      %swap3A_167 = tpu.vector_load %arg9[%swap3A_165, %swap3A_166] {strides = array<i32>} : memref<192x128xf32, #tpu.memory_space<vmem>>, vector<1x16xf32>,
      %swap3A_168 = vector.shape_cast %swap3A_167 : vector<1x16xf32> to vector<16xf32>
      %swap3A_169 = vector.shape_cast %max3A_164 : vector<16xf32> to vector<1x16xf32>
      tpu.vector_store %arg9[%swap3A_165, %swap3A_166], %swap3A_169 {strides = array<i32>} : memref<192x128xf32, #tpu.memory_space<vmem>>, vector<1x16xf32>,
      %get3A_170 = arith.index_cast %scan3A_53 : i32 to index
      %get3A_171 = arith.constant 112 : index
      %get3A_172 = tpu.vector_load %arg9[%get3A_170, %get3A_171] {strides = array<i32>} : memref<192x128xf32, #tpu.memory_space<vmem>>, vector<1x16xf32>,
      %get3A_173 = vector.shape_cast %get3A_172 : vector<1x16xf32> to vector<16xf32>
      %get3A_174 = arith.index_cast %scan3A_53 : i32 to index
      %get3A_175 = arith.constant 112 : index
      %get3A_176 = tpu.vector_load %arg10[%get3A_174, %get3A_175] {strides = array<i32>} : memref<192x128xf32, #tpu.memory_space<vmem>>, vector<1x16xf32>,
      %get3A_177 = vector.shape_cast %get3A_176 : vector<1x16xf32> to vector<16xf32>
      %add3A_178 = arith.addf %get3A_173, %get3A_177 : vector<16xf32>
      %max3A_179 = arith.constant 0.000000e+00 : f32
      %max3A_180 = vector.broadcast %max3A_179 : f32 to vector<16xf32>
      %max3A_181 = arith.maximumf %add3A_178, %max3A_180 : vector<16xf32>
      %swap3A_182 = arith.index_cast %scan3A_53 : i32 to index
      %swap3A_183 = arith.constant 112 : index
      %swap3A_184 = tpu.vector_load %arg9[%swap3A_182, %swap3A_183] {strides = array<i32>} : memref<192x128xf32, #tpu.memory_space<vmem>>, vector<1x16xf32>,
      %swap3A_185 = vector.shape_cast %swap3A_184 : vector<1x16xf32> to vector<16xf32>
      %swap3A_186 = vector.shape_cast %max3A_181 : vector<16xf32> to vector<1x16xf32>
      tpu.vector_store %arg9[%swap3A_182, %swap3A_183], %swap3A_186 {strides = array<i32>} : memref<192x128xf32, #tpu.memory_space<vmem>>, vector<1x16xf32>,
    }
    %scan3A_46 = arith.constant 16 : i32
    "tpu.region"() ({
      %run_scoped3A = tpu.sem_alloc : memref<!tpu.dma_semaphore, #tpu.memory_space<semaphore_mem>>
      %dma_start3A_53 = arith.constant 0 : i32
      %dma_start3A_54 = arith.constant 0 : i32
      %dma_start3A_55 = tpu.memref_slice %arg9[%dma_start3A_53, %dma_start3A_54] : memref<192x128xf32, #tpu.memory_space<vmem>> -> memref<16x128xf32, #tpu.memory_space<vmem>>
      %dma_start3A_56 = arith.constant 0 : i32
      %dma_start3A_57 = arith.constant 0 : i32
      %dma_start3A_58 = tpu.memref_slice %arg13[%dma_start3A_56, %dma_start3A_57] : memref<10000x128xf32, #tpu.memory_space<vmem_shared>> -> memref<10000x128xf32, #tpu.memory_space<vmem_shared>>
      tpu.enqueue_indirect_dma source(%dma_start3A_55 : memref<16x128xf32, #tpu.memory_space<vmem>>) target(%dma_start3A_58 : memref<10000x128xf32, #tpu.memory_space<vmem_shared>>) offsets(%arg12 : memref<16xi32, #tpu.memory_space<vmem>>) semaphore(%run_scoped3A : memref<!tpu.dma_semaphore, #tpu.memory_space<semaphore_mem>>) {add = true}
      %dma_wait3A_59 = arith.constant 0 : i32
      %dma_wait3A_60 = arith.constant 0 : i32
      %dma_wait3A_61 = tpu.memref_slice %arg9[%dma_wait3A_59, %dma_wait3A_60] : memref<192x128xf32, #tpu.memory_space<vmem>> -> memref<16x128xf32, #tpu.memory_space<vmem>>
      %dma_wait3A_62 = arith.constant 0 : i32
      %dma_wait3A_63 = arith.constant 0 : i32
      %dma_wait3A_64 = tpu.memref_slice %arg13[%dma_wait3A_62, %dma_wait3A_63] : memref<10000x128xf32, #tpu.memory_space<vmem_shared>> -> memref<10000x128xf32, #tpu.memory_space<vmem_shared>>
      tpu.wait_indirect_dma semaphore(%run_scoped3A : memref<!tpu.dma_semaphore, #tpu.memory_space<semaphore_mem>>) src(%dma_wait3A_61 : memref<16x128xf32, #tpu.memory_space<vmem>>) dst(%dma_wait3A_64 : memref<10000x128xf32, #tpu.memory_space<vmem_shared>>)
      tpu.yield
    }) : () -> ()
    %barrier3A_47 = arith.constant 0 : index
    tpu.barrier barrier_id(%barrier3A_47)
    %lt3A_48 = arith.constant 10 : i32
    %lt3A_49 = arith.cmpi slt, %arg1, %lt3A_48 : i32
    %convert_element_type3A_50 = arith.extui %lt3A_49 : i1 to i32
    %cond3A_51 = arith.constant 0 : i32
    %cond3A_52 = arith.cmpi ne, %convert_element_type3A_50, %cond3A_51 : i32
    scf.if %cond3A_52 {
      %mul3A_53 = arith.constant 1000 : i32
      %mul3A_54 = arith.muli %arg1, %mul3A_53 : i32
      %mul3A_55 = arith.constant 10000 : i32
      %mul3A_56 = arith.muli %arg0, %mul3A_55 : i32
      %mul3A_57 = arith.constant 1000 : i32
      %mul3A_58 = arith.muli %arg1, %mul3A_57 : i32
      %add3A_59 = arith.addi %mul3A_56, %mul3A_58 : i32
      "tpu.region"() ({
        %run_scoped3A = tpu.sem_alloc : memref<!tpu.dma_semaphore, #tpu.memory_space<semaphore_mem>>
        %dma_start3A_60 = arith.constant 0 : i32
        %dma_start3A_61 = tpu.memref_slice %arg6[%add3A_59, %dma_start3A_60] : memref<20000x128xf32, #tpu.memory_space<hbm>> -> memref<1000x128xf32, #tpu.memory_space<hbm>>
        %dma_start3A_62 = arith.constant 0 : i32
        %dma_start3A_63 = tpu.memref_slice %arg13[%mul3A_54, %dma_start3A_62] : memref<10000x128xf32, #tpu.memory_space<vmem_shared>> -> memref<1000x128xf32, #tpu.memory_space<vmem_shared>>
        tpu.enqueue_dma source(%dma_start3A_63 : memref<1000x128xf32, #tpu.memory_space<vmem_shared>>) target(%dma_start3A_61 : memref<1000x128xf32, #tpu.memory_space<hbm>>) target_semaphore(%run_scoped3A : memref<!tpu.dma_semaphore, #tpu.memory_space<semaphore_mem>>)
        %dma_wait3A_64 = arith.constant 0 : i32
        %dma_wait3A_65 = tpu.memref_slice %arg6[%add3A_59, %dma_wait3A_64] : memref<20000x128xf32, #tpu.memory_space<hbm>> -> memref<1000x128xf32, #tpu.memory_space<hbm>>
        %dma_wait3A_66 = arith.constant 0 : i32
        %dma_wait3A_67 = tpu.memref_slice %arg13[%mul3A_54, %dma_wait3A_66] : memref<10000x128xf32, #tpu.memory_space<vmem_shared>> -> memref<1000x128xf32, #tpu.memory_space<vmem_shared>>
        tpu.wait_dma2 semaphore(%run_scoped3A : memref<!tpu.dma_semaphore, #tpu.memory_space<semaphore_mem>>) src(%dma_wait3A_67 : memref<1000x128xf32, #tpu.memory_space<vmem_shared>>) dst(%dma_wait3A_65 : memref<1000x128xf32, #tpu.memory_space<hbm>>)
        tpu.yield
      }) : () -> ()
    } else {
    }
    return
  }
}

module attributes {stable_mosaic.version = 14 : i64} {
  func.func @_post_body(%arg0: i32, %arg1: memref<1000x128xf32, #tpu.memory_space<vmem>>, %arg2: memref<1000x128xf32, #tpu.memory_space<vmem>>, %arg3: memref<1000x128xf32, #tpu.memory_space<vmem>>, %arg4: memref<128x128xf32, #tpu.memory_space<vmem>>, %arg5: memref<1000x128xf32, #tpu.memory_space<vmem>>) attributes {dimension_semantics = [#tpu.dimension_semantics<arbitrary>], iteration_bounds = array<i64: 10>, scalar_prefetch = 0 : i64, scratch_operands = 0 : i64, tpu.core_type = #tpu.core_type<tc>, window_params = [{transform_indices = @transform_0, window_bounds = array<i64: 1000, 128>}, {transform_indices = @transform_1, window_bounds = array<i64: 1000, 128>}, {transform_indices = @transform_2, window_bounds = array<i64: 1000, 128>}, {pipeline_mode = #tpu.pipeline_mode<synchronous>, transform_indices = @transform_3, window_bounds = array<i64: 128, 128>}, {transform_indices = @transform_4, window_bounds = array<i64: 1000, 128>}]} {
    %get3A = arith.constant 0 : index
    %get3A_0 = arith.constant 0 : index
    %get3A_1 = vector.load %arg2[%get3A, %get3A_0] : memref<1000x128xf32, #tpu.memory_space<vmem>>, vector<1000x128xf32>
    %get3A_2 = arith.constant 0 : index
    %get3A_3 = arith.constant 0 : index
    %get3A_4 = vector.load %arg3[%get3A_2, %get3A_3] : memref<1000x128xf32, #tpu.memory_space<vmem>>, vector<1000x128xf32>
    %add3A = arith.addf %get3A_1, %get3A_4 : vector<1000x128xf32>
    %get3A_5 = arith.constant 0 : index
    %get3A_6 = arith.constant 0 : index
    %get3A_7 = vector.load %arg4[%get3A_5, %get3A_6] : memref<128x128xf32, #tpu.memory_space<vmem>>, vector<128x128xf32>
    %dot_general3A = arith.constant dense<0.000000e+00> : vector<1000x128xf32>
    %dot_general3A_8 = tpu.matmul %add3A, %get3A_7, %dot_general3A {dimension_numbers = #tpu.dot_dimension_numbers<[1], [0], [0], [1], [0, 0, 1, 1], [], []>, transpose_lhs_hint = false} : vector<1000x128xf32>, vector<128x128xf32>, vector<1000x128xf32> -> vector<1000x128xf32>
    %get3A_9 = arith.constant 0 : index
    %get3A_10 = arith.constant 0 : index
    %get3A_11 = vector.load %arg1[%get3A_9, %get3A_10] : memref<1000x128xf32, #tpu.memory_space<vmem>>, vector<1000x128xf32>
    %add3A_12 = arith.addf %dot_general3A_8, %get3A_11 : vector<1000x128xf32>
    %max3A = arith.constant 0.000000e+00 : f32
    %max3A_13 = vector.broadcast %max3A : f32 to vector<1000x128xf32>
    %max3A_14 = arith.maximumf %add3A_12, %max3A_13 : vector<1000x128xf32>
    %swap3A = arith.constant 0 : index
    %swap3A_15 = arith.constant 0 : index
    %swap3A_16 = vector.load %arg5[%swap3A, %swap3A_15] : memref<1000x128xf32, #tpu.memory_space<vmem>>, vector<1000x128xf32>
    tpu.vector_store %arg5[%swap3A, %swap3A_15], %max3A_14 {strides = array<i32>} : memref<1000x128xf32, #tpu.memory_space<vmem>>, vector<1000x128xf32>,
    return
  }
  func.func @transform_0(%arg0: i32) -> (i32, i32) {
    %c0_i32 = arith.constant 0 : i32
    %c0_i32_0 = arith.constant 0 : i32
    return %arg0, %c0_i32 : i32, i32
  }
  func.func @transform_1(%arg0: i32) -> (i32, i32) {
    %c0_i32 = arith.constant 0 : i32
    %c0_i32_0 = arith.constant 0 : i32
    return %arg0, %c0_i32 : i32, i32
  }
  func.func @transform_2(%arg0: i32) -> (i32, i32) {
    %add3A = arith.constant 10 : i32
    %add3A_0 = arith.addi %arg0, %add3A : i32
    %c0_i32 = arith.constant 0 : i32
    %c0_i32_1 = arith.constant 0 : i32
    return %add3A_0, %c0_i32 : i32, i32
  }
  func.func @transform_3(%arg0: i32) -> (i32, i32) {
    %c0_i32 = arith.constant 0 : i32
    %c0_i32_0 = arith.constant 0 : i32
    %c0_i32_1 = arith.constant 0 : i32
    return %c0_i32, %c0_i32_0 : i32, i32
  }
  func.func @transform_4(%arg0: i32) -> (i32, i32) {
    %c0_i32 = arith.constant 0 : i32
    %c0_i32_0 = arith.constant 0 : i32
    return %arg0, %c0_i32 : i32, i32
  }
}

module attributes {stable_mosaic.version = 14 : i64} {
  func.func @_pre_body(%arg0: i32, %arg1: memref<1000x128xf32, #tpu.memory_space<vmem>>, %arg2: memref<128x128xf32, #tpu.memory_space<vmem>>, %arg3: memref<128x128xf32, #tpu.memory_space<vmem>>, %arg4: memref<1x128xf32, #tpu.memory_space<vmem>>, %arg5: memref<128x128xf32, #tpu.memory_space<vmem>>, %arg6: memref<1x128xf32, #tpu.memory_space<vmem>>, %arg7: memref<1000x128xf32, #tpu.memory_space<vmem>>, %arg8: memref<1000x128xf32, #tpu.memory_space<vmem>>, %arg9: memref<1000x128xf32, #tpu.memory_space<vmem>>) attributes {dimension_semantics = [#tpu.dimension_semantics<arbitrary>], iteration_bounds = array<i64: 10>, scalar_prefetch = 0 : i64, scratch_operands = 0 : i64, tpu.core_type = #tpu.core_type<tc>, window_params = [{transform_indices = @transform_0, window_bounds = array<i64: 1000, 128>}, {pipeline_mode = #tpu.pipeline_mode<synchronous>, transform_indices = @transform_1, window_bounds = array<i64: 128, 128>}, {pipeline_mode = #tpu.pipeline_mode<synchronous>, transform_indices = @transform_2, window_bounds = array<i64: 128, 128>}, {pipeline_mode = #tpu.pipeline_mode<synchronous>, transform_indices = @transform_3, window_bounds = array<i64: 1, 128>}, {pipeline_mode = #tpu.pipeline_mode<synchronous>, transform_indices = @transform_4, window_bounds = array<i64: 128, 128>}, {pipeline_mode = #tpu.pipeline_mode<synchronous>, transform_indices = @transform_5, window_bounds = array<i64: 1, 128>}, {transform_indices = @transform_6, window_bounds = array<i64: 1000, 128>}, {transform_indices = @transform_7, window_bounds = array<i64: 1000, 128>}, {transform_indices = @transform_8, window_bounds = array<i64: 1000, 128>}]} {
    %get3A = arith.constant 0 : index
    %get3A_0 = arith.constant 0 : index
    %get3A_1 = vector.load %arg1[%get3A, %get3A_0] : memref<1000x128xf32, #tpu.memory_space<vmem>>, vector<1000x128xf32>
    %get3A_2 = arith.constant 0 : index
    %get3A_3 = arith.constant 0 : index
    %get3A_4 = vector.load %arg2[%get3A_2, %get3A_3] : memref<128x128xf32, #tpu.memory_space<vmem>>, vector<128x128xf32>
    %dot_general3A = arith.constant dense<0.000000e+00> : vector<1000x128xf32>
    %dot_general3A_5 = tpu.matmul %get3A_1, %get3A_4, %dot_general3A {dimension_numbers = #tpu.dot_dimension_numbers<[1], [0], [0], [1], [0, 0, 1, 1], [], []>, transpose_lhs_hint = false} : vector<1000x128xf32>, vector<128x128xf32>, vector<1000x128xf32> -> vector<1000x128xf32>
    %swap3A = arith.constant 0 : index
    %swap3A_6 = arith.constant 0 : index
    %swap3A_7 = vector.load %arg7[%swap3A, %swap3A_6] : memref<1000x128xf32, #tpu.memory_space<vmem>>, vector<1000x128xf32>
    tpu.vector_store %arg7[%swap3A, %swap3A_6], %dot_general3A_5 {strides = array<i32>} : memref<1000x128xf32, #tpu.memory_space<vmem>>, vector<1000x128xf32>,
    %get3A_8 = arith.constant 0 : index
    %get3A_9 = arith.constant 0 : index
    %get3A_10 = vector.load %arg3[%get3A_8, %get3A_9] : memref<128x128xf32, #tpu.memory_space<vmem>>, vector<128x128xf32>
    %dot_general3A_11 = arith.constant dense<0.000000e+00> : vector<1000x128xf32>
    %dot_general3A_12 = tpu.matmul %get3A_1, %get3A_10, %dot_general3A_11 {dimension_numbers = #tpu.dot_dimension_numbers<[1], [0], [0], [1], [0, 0, 1, 1], [], []>, transpose_lhs_hint = false} : vector<1000x128xf32>, vector<128x128xf32>, vector<1000x128xf32> -> vector<1000x128xf32>
    %get3A_13 = arith.constant 0 : index
    %get3A_14 = arith.constant 0 : index
    %get3A_15 = vector.load %arg4[%get3A_13, %get3A_14] : memref<1x128xf32, #tpu.memory_space<vmem>>, vector<1x128xf32>
    %add3A = vector.broadcast %get3A_15 : vector<1x128xf32> to vector<1000x128xf32>
    %add3A_16 = arith.addf %dot_general3A_12, %add3A : vector<1000x128xf32>
    %swap3A_17 = arith.constant 0 : index
    %swap3A_18 = arith.constant 0 : index
    %swap3A_19 = vector.load %arg8[%swap3A_17, %swap3A_18] : memref<1000x128xf32, #tpu.memory_space<vmem>>, vector<1000x128xf32>
    tpu.vector_store %arg8[%swap3A_17, %swap3A_18], %add3A_16 {strides = array<i32>} : memref<1000x128xf32, #tpu.memory_space<vmem>>, vector<1000x128xf32>,
    %get3A_20 = arith.constant 0 : index
    %get3A_21 = arith.constant 0 : index
    %get3A_22 = vector.load %arg5[%get3A_20, %get3A_21] : memref<128x128xf32, #tpu.memory_space<vmem>>, vector<128x128xf32>
    %dot_general3A_23 = arith.constant dense<0.000000e+00> : vector<1000x128xf32>
    %dot_general3A_24 = tpu.matmul %get3A_1, %get3A_22, %dot_general3A_23 {dimension_numbers = #tpu.dot_dimension_numbers<[1], [0], [0], [1], [0, 0, 1, 1], [], []>, transpose_lhs_hint = false} : vector<1000x128xf32>, vector<128x128xf32>, vector<1000x128xf32> -> vector<1000x128xf32>
    %get3A_25 = arith.constant 0 : index
    %get3A_26 = arith.constant 0 : index
    %get3A_27 = vector.load %arg6[%get3A_25, %get3A_26] : memref<1x128xf32, #tpu.memory_space<vmem>>, vector<1x128xf32>
    %add3A_28 = vector.broadcast %get3A_27 : vector<1x128xf32> to vector<1000x128xf32>
    %add3A_29 = arith.addf %dot_general3A_24, %add3A_28 : vector<1000x128xf32>
    %swap3A_30 = arith.constant 0 : index
    %swap3A_31 = arith.constant 0 : index
    %swap3A_32 = vector.load %arg9[%swap3A_30, %swap3A_31] : memref<1000x128xf32, #tpu.memory_space<vmem>>, vector<1000x128xf32>
    tpu.vector_store %arg9[%swap3A_30, %swap3A_31], %add3A_29 {strides = array<i32>} : memref<1000x128xf32, #tpu.memory_space<vmem>>, vector<1000x128xf32>,
    return
  }
  func.func @transform_0(%arg0: i32) -> (i32, i32) {
    %c0_i32 = arith.constant 0 : i32
    %c0_i32_0 = arith.constant 0 : i32
    return %arg0, %c0_i32 : i32, i32
  }
  func.func @transform_1(%arg0: i32) -> (i32, i32) {
    %c0_i32 = arith.constant 0 : i32
    %c0_i32_0 = arith.constant 0 : i32
    %c0_i32_1 = arith.constant 0 : i32
    return %c0_i32, %c0_i32_0 : i32, i32
  }
  func.func @transform_2(%arg0: i32) -> (i32, i32) {
    %c0_i32 = arith.constant 0 : i32
    %c0_i32_0 = arith.constant 0 : i32
    %c0_i32_1 = arith.constant 0 : i32
    return %c0_i32, %c0_i32_0 : i32, i32
  }
  func.func @transform_3(%arg0: i32) -> (i32, i32) {
    %c0_i32 = arith.constant 0 : i32
    %c0_i32_0 = arith.constant 0 : i32
    %c0_i32_1 = arith.constant 0 : i32
    return %c0_i32, %c0_i32_0 : i32, i32
  }
  func.func @transform_4(%arg0: i32) -> (i32, i32) {
    %c0_i32 = arith.constant 0 : i32
    %c0_i32_0 = arith.constant 0 : i32
    %c0_i32_1 = arith.constant 0 : i32
    return %c0_i32, %c0_i32_0 : i32, i32
  }
  func.func @transform_5(%arg0: i32) -> (i32, i32) {
    %c0_i32 = arith.constant 0 : i32
    %c0_i32_0 = arith.constant 0 : i32
    %c0_i32_1 = arith.constant 0 : i32
    return %c0_i32, %c0_i32_0 : i32, i32
  }
  func.func @transform_6(%arg0: i32) -> (i32, i32) {
    %c0_i32 = arith.constant 0 : i32
    %c0_i32_0 = arith.constant 0 : i32
    return %arg0, %c0_i32 : i32, i32
  }
  func.func @transform_7(%arg0: i32) -> (i32, i32) {
    %c0_i32 = arith.constant 0 : i32
    %c0_i32_0 = arith.constant 0 : i32
    return %arg0, %c0_i32 : i32, i32
  }
  func.func @transform_8(%arg0: i32) -> (i32, i32) {
    %c0_i32 = arith.constant 0 : i32
    %c0_i32_0 = arith.constant 0 : i32
    return %arg0, %c0_i32 : i32, i32
  }
}

</mosaic_0001>

<sc_bundles>
// kernel: kernel.5.cloned.1.call-start
scs
__scs_entry_jumppad:
0x0: {  	(pc) =	sbr.rel $0x88, $3  }
0x1: {  	(tag) =	ssettag $0x0;
	lr =	simm.s32 $0x1  }
0x2: {  	[smem:$0x3F99] =	sst lr;
	_ =	strace $0xD0000000  }
0x3: {  	_ = 	snop  }
0x4: {  	_ = 	snop  }
0x5: {  	_ = 	snop  }
0x6: {  	_ = 	snop  }
0x7: {  	_ = 	snop  }
__scs_overlays_trampoline_lowered:
0x8: {  	[smem:$0x3FA8] =	sst s0  }
0x9: {  	[smem:$0x3FA9] =	sst s1  }
0xa: {  	[smem:$0x3FAA] =	sst s2  }
0xb: {  	[smem:$0x3FAB] =	sst s3  }
0xc: {  	[smem:$0x3FAC] =	sst s4  }
0xd: {  	[smem:$0x3FAD] =	sst s5  }
0xe: {  	[smem:$0x3FAE] =	sst s6  }
0xf: {  	[smem:$0x3FAF] =	sst s7  }
0x10: {  	[smem:$0x3FB0] =	sst s8  }
0x11: {  	[smem:$0x3FB1] =	sst s9;
	s0 =	simm.s32 @!p0 $0x0  }
0x12: {  	s1 =	sld [smem:$0x3F97];
	s0 =	simm.s32 @p0 $0x1  }
0x13: {  	[smem:$0x3FB2] =	sst s0;
	s0 =	simm.s32 @!p1 $0x0  }
0x14: {  	s2 =	sld [smem:$0x3F96];
	s0 =	simm.s32 @p1 $0x1  }
0x15: {  	[smem:$0x3FB3] =	sst s0;
	s0 =	simm.s32 @!p2 $0x0  }
0x16: {  	s3 =	sld [smem:$0x3FDB];
	s0 =	simm.s32 @p2 $0x1  }
0x17: {  	s4 =	simm.s32 $0x1BF5;
	[smem:$0x3FB5] =	sst s0  }
0x18: {  	s0 =	sld [smem:$0x3F98];
	_ =	swait.ge [sflag:s4], $0x0  }
0x19: {  	s7 =	sld [smem:$0x3F99]  }
0x1a: {  	s8 =	sadd.s32 $0xFFFFE003, lr  }
0x1b: {  	s9 =	sadd.s32 $0xFFFFFEF7, lr;
	s5 =	simm.s32 $0xFFFFFFFF;
	p2 =	slt.u32 s8, $0xFFFFF086  }
0x1c: {  	p1 =	slt.u32 s9, $0xF7A;
	s5 =	simm.s32 @!p2 $0x0  }
0x1d: {  	s5 =	simm.s32 @p1 $0x1;
	p0 =	seq.s32 s7, s2  }
0x1e: {  	s7 =	smul.u32 @!p0 $0xF7A, s2;
	p2 =	seq.s32 @!p0 s5, $0x0  }
0x1f: {  	s9 =	smul.u32 $0xF7A, s1;
	s8 =	simm.s32 @!p0 $0x1BF5;
	p2 =	por !p2, p0  }
0x20: {  	[sflag:s8] =	ssyncset.s32 @!p0 $0xFFFFF086;
	s6 =	sadd.s32 @!p0 s3, s7;
	s7 =	simm.s32 @!p0 $0x108  }
0x21: {  	s3 =	sadd.s32 s3, s9;
	s6 =	sadd.s32 @!p0 $0x88, s6;
	s7 =	simm.s32 @p2 $0x1082  }
0x22: {  	[simem:s7], [sflag:s8] =	dma.local @!p0 [hbm:s6], $0xF7A  }
0x23: {  	s9 =	sor.u32 $0xD0000000, s2;
	s6 =	simm.s32 $0x108;
	_ =	swait.ge @!p0 [sflag:s8], $0x0  }
0x24: {  	s3 =	sadd.s32 $0x88, s3;
	s6 =	simm.s32 @!p1 $0x1082;
	[sflag:s4] =	ssyncset.s32 $0xFFFFF086  }
0x25: {  	[simem:s6], [sflag:s4] =	dma.local [hbm:s3], $0xF7A  }
0x26: {  	[smem:$0x3F99] =	sst s1;
	(tag) =	ssettag s2;
	_ =	strace s9  }
0x27: {  	s1 =	sld [smem:$0x3FA9]  }
0x28: {  	s2 =	sld [smem:$0x3FAA]  }
0x29: {  	s4 =	sld [smem:$0x3FAC]  }
0x2a: {  	p0 =	seq.s32 s5, $0x0;
	s5 =	sld [smem:$0x3FAD]  }
0x2b: {  	s6 =	sld [smem:$0x3FAE]  }
0x2c: {  	s7 =	sld [smem:$0x3FAF]  }
0x2d: {  	s3 =	simm.s32 $0x108;
	s8 =	sld [smem:$0x3FB0]  }
0x2e: {  	s3 =	simm.s32 @!p0 $0x1082;
	s9 =	sld [smem:$0x3FB1]  }
0x2f: {  	lr =	sadd.s32 s0, s3;
	s0 =	sld [smem:$0x3FA8]  }
0x30: {  	s3 =	sld [smem:$0x3FAB]  }
0x31: {  	[smem:$0x3FB4] =	sst s10  }
0x32: {  	s10 =	sld [smem:$0x3FB2];
	_ =	sdelay $0x3  }
0x33: {  	p0 =	seq.s32 s10, $0x1;
	s10 =	sld [smem:$0x3FB4];
	_ =	sdelay $0x3  }
0x34: {  	[smem:$0x3FB4] =	sst s10  }
0x35: {  	s10 =	sld [smem:$0x3FB3];
	_ =	sdelay $0x3  }
0x36: {  	p1 =	seq.s32 s10, $0x1;
	s10 =	sld [smem:$0x3FB4];
	_ =	sdelay $0x3  }
0x37: {  	[smem:$0x3FB4] =	sst s10  }
0x38: {  	s10 =	sld [smem:$0x3FB5]  }
0x39: {  	_ = 	snop;
	(pc) =	sbr.ind lr, $3  }
0x3a: {  	_ = 	snop  }
0x3b: {  	_ = 	snop  }
0x3c: {  	p2 =	seq.s32 s10, $0x1;
	s10 =	sld [smem:$0x3FB4]  }
0x3d: {  	_ =	shalt  }
0x3e: {  	_ =	shalt  }
0x3f: {  	_ =	shalt  }
0x40: {  	_ =	shalt  }
0x41: {  	_ =	shalt  }
0x42: {  	_ =	shalt  }
0x43: {  	_ =	shalt  }
0x44: {  	_ =	shalt  }
0x45: {  	_ =	shalt  }
0x46: {  	_ =	shalt  }
0x47: {  	_ =	shalt  }
0x48: {  	_ =	shalt  }
0x49: {  	_ =	shalt  }
0x4a: {  	_ =	shalt  }
0x4b: {  	_ =	shalt  }
0x4c: {  	_ =	shalt  }
0x4d: {  	_ =	shalt  }
0x4e: {  	_ =	shalt  }
0x4f: {  	_ =	shalt  }
0x50: {  	_ =	shalt  }
0x51: {  	_ =	shalt  }
0x52: {  	_ =	shalt  }
0x53: {  	_ =	shalt  }
0x54: {  	_ =	shalt  }
0x55: {  	_ =	shalt  }
0x56: {  	_ =	shalt  }
0x57: {  	_ =	shalt  }
0x58: {  	_ =	shalt  }
0x59: {  	_ =	shalt  }
0x5a: {  	_ =	shalt  }
0x5b: {  	_ =	shalt  }
0x5c: {  	_ =	shalt  }
0x5d: {  	_ =	shalt  }
0x5e: {  	_ =	shalt  }
0x5f: {  	_ =	shalt  }
0x60: {  	_ =	shalt  }
0x61: {  	_ =	shalt  }
0x62: {  	_ =	shalt  }
0x63: {  	_ =	shalt  }
0x64: {  	_ =	shalt  }
0x65: {  	_ =	shalt  }
0x66: {  	_ =	shalt  }
0x67: {  	_ =	shalt  }
0x68: {  	_ =	shalt  }
0x69: {  	_ =	shalt  }
0x6a: {  	_ =	shalt  }
0x6b: {  	_ =	shalt  }
0x6c: {  	_ =	shalt  }
0x6d: {  	_ =	shalt  }
0x6e: {  	_ =	shalt  }
0x6f: {  	_ =	shalt  }
0x70: {  	_ =	shalt  }
0x71: {  	_ =	shalt  }
0x72: {  	_ =	shalt  }
0x73: {  	_ =	shalt  }
0x74: {  	_ =	shalt  }
0x75: {  	_ =	shalt  }
0x76: {  	_ =	shalt  }
0x77: {  	_ =	shalt  }
0x78: {  	_ =	shalt  }
0x79: {  	_ =	shalt  }
0x7a: {  	_ =	shalt  }
0x7b: {  	_ =	shalt  }
0x7c: {  	_ =	shalt  }
0x7d: {  	_ =	shalt  }
0x7e: {  	_ =	shalt  }
0x7f: {  	_ =	shalt  }
0x80: {  	_ =	shalt  }
0x81: {  	_ =	shalt  }
0x82: {  	_ =	shalt  }
0x83: {  	_ =	shalt  }
0x84: {  	_ =	shalt  }
0x85: {  	_ =	shalt  }
0x86: {  	_ =	shalt  }
0x87: {  	_ =	shalt  }
.Lfunc_end0:
.L_simem_size_0:
called_computation_lowered:
.L_overlay_start_0:
0x88: {  	s2 =	sld [smem:$0x3FD9]  }
0x89: {  	s3 =	sld [smem:$0x3FFE];
	_ =	sdelay $0x1  }
0x8a: {  	s1 =	srdreg.scid  }
0x8b: {  	s0 =	sand.u32 $0x1, s1  }
0x8c: {  	s17 =	sshll.u32 s0, $0xA;
	s2 =	sadd.s32 s3, s2  }
0x8d: {  	s2 =	sadd.s32 s2, s17  }
0x8e: {  	[smem:$0x3FC0] =	sst s2  }
0x8f: {  	_ = 	snop  }
0x90: {  	s2 =	sld [smem:$0x3FD0];
	(tm) =	ssettm $0x1  }
0x91: {  	s18 =	sld [smem:$0x3FFB];
	_ =	sdelay $0x3  }
0x92: {  	_ =	strace s18  }
0x93: {  	s3 =	sld [smem:$0x3FFC];
	_ =	sdelay $0x3  }
0x94: {  	_ =	strace s3  }
0x95: {  	s3 =	sld [smem:$0x3FFD];
	_ =	sdelay $0x3  }
0x96: {  	_ =	strace s3  }
0x97: {  	_ =	strace $0x8FFFFFFF  }
0x98: {  	s19 =	sld [smem:$0x3FDB];
	_ =	sdelay $0x1  }
0x99: {  	s4 =	simm.s32 $_scs_section_size  }
0x9a: {  	s5 =	simm.s32 $_size__tile_overlayer_lowered;
	s6 =	simm.s32 $_tile_overlayer_lowered  }
0x9b: {  	s22 =	simm.s32 $0x1BFF;
	s21 =	sshll.u32 s6, $0x1;
	s3 =	sadd.s32 s4, s19  }
0x9c: {  	s7 =	simm.s32 $0x0;
	s20 =	sshll.u32 s5, $0x1;
	s5 =	sadd.s32 s21, s3  }
0x9d: {  	[timem:s7], [sflag:s22] =	dma.local [hbm:s5], s20  }
0x9e: {  	_ =	swait.ge [sflag:s22], s20  }
0x9f: {  	s4 =	ssub.s32 $0x0, s20;
	[sflag:s22] =	ssyncset.done $0x0  }
0xa0: {  	[sflag:s22] =	ssyncadd.s32 s4;
	_ =	sdelay $0x1  }
0xa1: {  	s23 =	simm.s32 $0x1B8B  }
0xa2: {  	_ =	swait.ge [sflag:s23], $0x1  }
0xa3: {  	[sflag:s23] =	ssyncset.done $0x0  }
0xa4: {  	s25 =	simm.s32 $0x1B8E;
	s24 =	sld [smem:$0x3FFE];
	[sflag:s23] =	ssyncadd.s32 $0xFFFFFFFF  }
0xa5: {  	s26 =	simm.s32 $execute0_lowered;
	[smem:$0x3FD2] =	sst s25  }
0xa6: {  	s5 =	sshll.u32 s26, $0x1;
	_ =	strace $0x80000046;
	[dreg:$0x1] =	wrdreg $0xFFFFFFFF  }
0xa7: {  	s28 =	simm.s32 $_size_execute0_lowered;
	s3 =	sadd.s32 s3, s5;
	[dreg:$0x0] =	wrdreg $0x0  }
0xa8: {  	s5 =	sshll.u32 s28, $0x1;
	[dreg:$0x2] =	wrdreg s3  }
0xa9: {  	[dreg:$0x3] =	wrdreg s5  }
0xaa: {  	[dreg:$0x4] =	wrdreg $0xC0  }
0xab: {  	_ =	task [dreg:s7], $0x5FFFF  }
0xac: {  	[dreg:$0x1] =	wrdreg $0xFFFFFFFF  }
0xad: {  	[dreg:$0x0] =	wrdreg $0x60  }
0xae: {  	[dreg:$0x2] =	wrdreg s2  }
0xaf: {  	[dreg:$0x3] =	wrdreg s24  }
0xb0: {  	[dreg:$0x4] =	wrdreg $0xC3000  }
0xb1: {  	[dreg:$0x5] =	wrdreg $0x9  }
0xb2: {  	_ =	task.clear_ibuf [dreg:s7], $0x6FFFF;
	_ =	strace $0x90000046  }
0xb3: {  	s29 =	simm.s32 $0x9;
	_ =	strace $0x80000048  }
0xb4: {  	_ =	swait.ge [sflag:s29], $0x1  }
0xb5: {  	[sflag:s29] =	ssyncadd.s32 $0xFFFFFFFF  }
0xb6: {  	_ =	strace $0x90000048  }
0xb7: {  	_ =	sfence  }
0xb8: {  	s30 =	sld [smem:$0x0];
	_ =	sdelay $0x2  }
0xb9: {  	s31 =	sshll.u32 s1, $0xD;
	s1 =	sshrl.u32 s1, $0x2  }
0xba: {  	s3 =	sand.u32 $0x4000, s31;
	s1 =	sadd.s32 s1, s30  }
0xbb: {  	s0 =	sor.u32 s3, s0;
	s1 =	sshll.u32 s1, $0x11  }
0xbc: {  	s0 =	sor.u32 s1, s0  }
0xbd: {  	s0 =	sadd.s32 $0x8F2B, s0  }
0xbe: {  	[sflag:s0] =	ssyncadd.remote.s32 $0x1  }
0xbf: {  	_ =	sfence.sel $0xFFFF  }
0xc0: {  	[dreg:$0x0] =	wrdreg $0xFFFFFFFF;
	(pc) =	sbr.abs _section_cstart, $3  }
0xc1: {  	[dreg:$0x1] =	wrdreg $0xFFFFFFFF  }
0xc2: {  	_ =	task.clear_ibuf [dreg:s7], $0x2FFFF;
	_ =	strace $0x9FFFFFFF  }
0xc3: {  	(tm) =	ssettm $0x7FFFFFFF  }
tec
execute0_lowered:
.L_overlay_start_1:
0x0: {  	(tag) =	ssettag $0x1  }
0x1: {  	s1 =	rddreg [dreg:$0x0]  }
0x2: {  	s0 =	rddreg [dreg:$0x1]  }
0x3: {  	s2 =	rddreg [dreg:$0x2];
	s4 =	simm.s32 $0x0  }
0x4: {  	s3 =	srdreg.scid;
	s19 =	stileid.u32;
	s20 =	simm.s32 $0x1  }
0x5: {  	s21 =	simm.s32 $0x2;
	s22 =	simm.s32 $0xC0;
	s28 =	simm.s32 $0xC280  }
0x6: {  	s29 =	simm.s32 $0x10;
	s30 =	simm.s32 $0x0;
	[smem:$0x7FF] =	sst s4  }
0x7: {  	s3 =	sand.u32 $0x1, s3;
	s9 =	smul.u32 $0x3E80, s19;
	s5 =	sadd.s32 $0x14E00, s0  }
0x8: {  	s6 =	sadd.s32 $0xB000, s0;
	s10 =	smul.u32 $0x7D000, s19;
	s7 =	sadd.s32 $0x1200, s0  }
0x9: {  	s23 =	sshll.u32 s19, $0x1;
	p0 =	sgt.u32 s19, $0x9;
	s19 =	simm.s32 $0x100  }
0xa: {  	s8 =	smul.u32 $0x27100, s3;
	_ =	strace $0x80000047;
	s12 =	ssub.s32 $0x2, s3  }
0xb: {  	s3 =	sor.u32 s3, s23;
	s23 =	simm.s32 $0x200;
	s24 =	sshrl.u32 s10, $0x2  }
0xc: {  	s25 =	sshrl.u32 s12, $0x1;
	s11 =	sadd.s32 s9, s8;
	s8 =	sadd.s32 s24, s2  }
0xd: {  	s9 =	smul.u32 $0x2710, s3;
	s26 =	ssub.s32 s12, s25;
	s24 =	simm.s32 $0x6200  }
0xe: {  	s25 =	simm.s32 $0x3;
	s0 =	sadd.s32 s11, s0;
	s31 =	sadd.s32 $0x6000, s8  }
0xf: {  	s11 =	sadd.s32 $0xC000, s8;
	s12 =	sadd.s32 $0x12000, s8;
	s13 =	sadd.s32 $0x18000, s8  }
0x10: {  	s14 =	sadd.s32 $0x1E000, s8;
	s18 =	smax.u32 s26, $0x1;
	s15 =	sshrl.u32 s9, $0x3  }
0x11: {  	s26 =	simm.s32 $0xC200;
	[dreg:$0x4] =	wrdreg s31;
	s16 =	sadd.s32 $0x4E0, s15  }
0x12: {  	v0 =	vimm.f32 $0.0e+00;
	s17 =	sadd.s32 $0x3C000, s0;
	s15 =	sadd.s32 s6, s16;
	s16 =	sadd.s32 s7, s16  }
.LBB2_1:
0x13: {  	s0 =	simm.s32 $0x0;
	s3 =	simm.s32 $0x200  }
.LBB2_2:
0x14: {  	p1 =	sne.s32 s3, $0x17E00;
	[tilespmem:s0+$0x270] =	vst v0  }
0x15: {  	[tilespmem:s0+$0x200] =	vst v0  }
0x16: {  	[tilespmem:s0+$0x210] =	vst v0  }
.Ltmp0:
0x17: {  	[tilespmem:s0+$0x220] =	vst v0;
	(pc) =	sbr.rel @p1 .LBB2_2-.Ltmp0, $4  }
0x18: {  	[tilespmem:s0+$0x230] =	vst v0  }
0x19: {  	[tilespmem:s0+$0x240] =	vst v0  }
0x1a: {  	[tilespmem:s0+$0x250] =	vst v0  }
0x1b: {  	[tilespmem:s0+$0x260] =	vst v0;
	s0 =	sshra.s32 s3, $0x2;
	s3 =	sadd.s32 $0x200, s3  }
0x1c: {  	[tilespmem:s0+$0x270] =	vst v0  }
0x1d: {  	[tilespmem:s0+$0x200] =	vst v0  }
0x1e: {  	[tilespmem:s0+$0x210] =	vst v0  }
0x1f: {  	[tilespmem:s0+$0x220] =	vst v0  }
0x20: {  	[tilespmem:s0+$0x230] =	vst v0  }
0x21: {  	[tilespmem:s0+$0x240] =	vst v0  }
0x22: {  	[tilespmem:s0+$0x250] =	vst v0  }
0x23: {  	[tilespmem:s0+$0x260] =	vst v0;
	s0 =	simm.s32 @!p0 $0x200;
	s3 =	simm.s32 @!p0 $0x3  }
0x24: {  	[spmem:s8] =	stream.linear.scatter @!p0 [tilespmem:s0], [sflag:$0x3], $0x6000, $0x38;
	[tilespmem:$0x1FB80] =	vst v63  }
0x25: {  	_ =	swait.ge @!p0 [sflag:s3], $0x6000  }
0x26: {  	[sflag:s3] =	ssyncset.done @!p0 $0x0  }
0x27: {  	s10 =	rddreg [dreg:$0x4];
	[sflag:s3] =	ssyncadd.s32 @!p0 $0xFFFFA000  }
0x28: {  	[spmem:s10] =	stream.linear.scatter @!p0 [tilespmem:s0], [sflag:$0x3], $0x6000, $0x38;
	[tilespmem:$0x1FB80] =	vst v63  }
0x29: {  	_ =	swait.ge @!p0 [sflag:s3], $0x6000  }
0x2a: {  	[sflag:s3] =	ssyncset.done @!p0 $0x0  }
0x2b: {  	[sflag:s3] =	ssyncadd.s32 @!p0 $0xFFFFA000  }
0x2c: {  	[spmem:s11] =	stream.linear.scatter @!p0 [tilespmem:s0], [sflag:$0x3], $0x6000, $0x38;
	[tilespmem:$0x1FB80] =	vst v63  }
0x2d: {  	_ =	swait.ge @!p0 [sflag:s3], $0x6000  }
0x2e: {  	[sflag:s3] =	ssyncset.done @!p0 $0x0  }
0x2f: {  	[sflag:s3] =	ssyncadd.s32 @!p0 $0xFFFFA000  }
0x30: {  	[spmem:s12] =	stream.linear.scatter @!p0 [tilespmem:s0], [sflag:$0x3], $0x6000, $0x38;
	[tilespmem:$0x1FB80] =	vst v63  }
0x31: {  	_ =	swait.ge @!p0 [sflag:s3], $0x6000  }
0x32: {  	[sflag:s3] =	ssyncset.done @!p0 $0x0  }
0x33: {  	[sflag:s3] =	ssyncadd.s32 @!p0 $0xFFFFA000  }
0x34: {  	[spmem:s13] =	stream.linear.scatter @!p0 [tilespmem:s0], [sflag:$0x3], $0x6000, $0x38;
	[tilespmem:$0x1FB80] =	vst v63  }
0x35: {  	_ =	swait.ge @!p0 [sflag:s3], $0x6000  }
0x36: {  	[sflag:s3] =	ssyncset.done @!p0 $0x0  }
0x37: {  	[sflag:s3] =	ssyncadd.s32 @!p0 $0xFFFFA000  }
0x38: {  	[spmem:s14] =	stream.linear.scatter @!p0 [tilespmem:s0], [sflag:$0x3], $0x1400, $0x38;
	[tilespmem:$0x1FB80] =	vst v63  }
0x39: {  	_ =	swait.ge @!p0 [sflag:s3], $0x1400  }
0x3a: {  	[sflag:s3] =	ssyncset.done @!p0 $0x0  }
0x3b: {  	[sflag:s3] =	ssyncadd.s32 @!p0 $0xFFFFEC00  }
0x3c: {  	s31 =	simm.s32 $0x0;
	[bflag:$0x0] =	sbarrier.arrive $0xFFFF  }
.LBB2_4:
0x3d: {  	s0 =	smul.u32 $0xC0, s31;
	_ =	sdelay $0x1  }
0x3e: {  	s0 =	sadd.s32 s9, s0  }
0x3f: {  	s0 =	sshrl.u32 s0, $0x3  }
0x40: {  	s3 =	sadd.s32 s6, s0  }
0x41: {  	[tilespmem:s30], [sflag:$0x1] =	stream.linear.gather [hbm4b:s3+s30], $0xC0, $0x38;
	[tilespmem:$0x1FB80] =	vst v63  }
0x42: {  	s0 =	sadd.s32 s7, s0  }
0x43: {  	[tilespmem:s19], [sflag:$0x2] =	stream.linear.gather [hbm4b:s0+s30], $0xC0, $0x38;
	[tilespmem:$0x1FB80] =	vst v63  }
0x44: {  	_ =	swait.ge [sflag:s20], $0xC0  }
0x45: {  	[sflag:s20] =	ssyncset.done $0x0  }
0x46: {  	[sflag:s20] =	ssyncadd.s32 $0xFFFFFF40  }
0x47: {  	_ =	swait.ge [sflag:s21], $0xC0  }
0x48: {  	[sflag:s21] =	ssyncset.done $0x0  }
0x49: {  	[sflag:s21] =	ssyncadd.s32 $0xFFFFFF40  }
0x4a: {  	[tilespmem:s23], [sflag:$0x1] =	stream.indirect.gather [hbm4b:s1+s22], $0x80, s30, s22, $0xb8;
	[tilespmem:$0x1FB80] =	vst v63  }
0x4b: {  	_ = 	snop  }
0x4c: {  	[tilespmem:s24], [sflag:$0x2] =	stream.indirect.gather [hbm4b:s5+s22], $0x80, s19, s22, $0xb8;
	[tilespmem:$0x1FB80] =	vst v63  }
0x4d: {  	_ =	swait.ge [sflag:s20], $0x6000  }
0x4e: {  	[sflag:s20] =	ssyncset.done $0x0  }
0x4f: {  	[sflag:s20] =	ssyncadd.s32 $0xFFFFA000  }
0x50: {  	_ =	swait.ge [sflag:s21], $0x6000  }
0x51: {  	[sflag:s21] =	ssyncset.done $0x0  }
0x52: {  	s0 =	simm.s32 $0x0;
	[sflag:s21] =	ssyncadd.s32 $0xFFFFA000  }
0x53: {  	v7 =	vld [tilespmem:s0+$0x6200]  }
0x54: {  	v12 =	vld [tilespmem:s0+$0x6210]  }
0x55: {  	v6 =	vld [tilespmem:s0+$0x6220]  }
0x56: {  	v5 =	vld [tilespmem:s0+$0x6230]  }
0x57: {  	v4 =	vld [tilespmem:s0+$0x6240]  }
0x58: {  	v3 =	vld [tilespmem:s0+$0x6250]  }
0x59: {  	v2 =	vld [tilespmem:s0+$0x6260]  }
0x5a: {  	v1 =	vld [tilespmem:s0+$0x6270]  }
0x5b: {  	v13 =	vld [tilespmem:s0+$0x200]  }
0x5c: {  	v14 =	vld [tilespmem:s0+$0x210]  }
0x5d: {  	v11 =	vld [tilespmem:s0+$0x220]  }
0x5e: {  	v10 =	vld [tilespmem:s0+$0x230]  }
0x5f: {  	v9 =	vld [tilespmem:s0+$0x240]  }
0x60: {  	v8 =	vld [tilespmem:s0+$0x250];
	v13 =	vadd.f32 v7, v13  }
0x61: {  	s3 =	simm.s32 $0x200;
	v12 =	vadd.f32 v12, v14;
	v7 =	vld [tilespmem:s0+$0x260]  }
.LBB2_5:
0x62: {  	s10 =	sshra.s32 s3, $0x2;
	p1 =	sne.s32 s3, $0x17E00;
	v13 =	vmax.f32 v13, $0.0e+00;
	v6 =	vadd.f32 v6, v11;
	v11 =	vld [tilespmem:s0+$0x270]  }
0x63: {  	v14 =	vld [tilespmem:s10+$0x6200];
	[tilespmem:s0+$0x200] =	vst v13;
	v12 =	vmax.f32 v12, $0.0e+00;
	v5 =	vadd.f32 v5, v10  }
0x64: {  	v15 =	vld [tilespmem:s10+$0x6210];
	[tilespmem:s0+$0x210] =	vst v12;
	v10 =	vmax.f32 v6, $0.0e+00;
	v4 =	vadd.f32 v4, v9  }
0x65: {  	v6 =	vld [tilespmem:s10+$0x6220];
	[tilespmem:s0+$0x220] =	vst v10;
	v9 =	vmax.f32 v5, $0.0e+00;
	v3 =	vadd.f32 v3, v8  }
0x66: {  	v5 =	vld [tilespmem:s10+$0x6230];
	[tilespmem:s0+$0x230] =	vst v9;
	v8 =	vmax.f32 v4, $0.0e+00;
	v2 =	vadd.f32 v2, v7  }
0x67: {  	v4 =	vld [tilespmem:s10+$0x6240];
	[tilespmem:s0+$0x240] =	vst v8;
	v7 =	vmax.f32 v3, $0.0e+00;
	v1 =	vadd.f32 v1, v11  }
0x68: {  	v3 =	vld [tilespmem:s10+$0x6250];
	[tilespmem:s0+$0x250] =	vst v7;
	v7 =	vmax.f32 v2, $0.0e+00  }
0x69: {  	v2 =	vld [tilespmem:s10+$0x6260];
	[tilespmem:s0+$0x260] =	vst v7;
	v7 =	vmax.f32 v1, $0.0e+00  }
0x6a: {  	v1 =	vld [tilespmem:s10+$0x6270];
	[tilespmem:s0+$0x270] =	vst v7;
	s0 =	smov.u32 s10  }
0x6b: {  	v7 =	vld [tilespmem:s0+$0x200]  }
0x6c: {  	v12 =	vld [tilespmem:s0+$0x210]  }
.Ltmp1:
0x6d: {  	v11 =	vld [tilespmem:s0+$0x220];
	(pc) =	sbr.rel @p1 .LBB2_5-.Ltmp1, $4  }
0x6e: {  	v10 =	vld [tilespmem:s0+$0x230]  }
0x6f: {  	v9 =	vld [tilespmem:s0+$0x240]  }
0x70: {  	v13 =	vadd.f32 v14, v7;
	v8 =	vld [tilespmem:s0+$0x250]  }
0x71: {  	s3 =	sadd.s32 $0x200, s3;
	v12 =	vadd.f32 v15, v12;
	v7 =	vld [tilespmem:s0+$0x260]  }
0x72: {  	v13 =	vmax.f32 v13, $0.0e+00;
	v6 =	vadd.f32 v6, v11;
	v63 =	vld [tilespmem:s0+$0x270]  }
0x73: {  	[tilespmem:s0+$0x200] =	vst v13;
	v12 =	vmax.f32 v12, $0.0e+00;
	v5 =	vadd.f32 v5, v10  }
0x74: {  	[tilespmem:s0+$0x210] =	vst v12;
	v6 =	vmax.f32 v6, $0.0e+00;
	v4 =	vadd.f32 v4, v9  }
0x75: {  	[tilespmem:s0+$0x220] =	vst v6;
	v5 =	vmax.f32 v5, $0.0e+00;
	v3 =	vadd.f32 v3, v8  }
0x76: {  	[tilespmem:s0+$0x230] =	vst v5;
	v4 =	vmax.f32 v4, $0.0e+00;
	v2 =	vadd.f32 v2, v7  }
0x77: {  	[tilespmem:s0+$0x240] =	vst v4;
	v3 =	vmax.f32 v3, $0.0e+00;
	v1 =	vadd.f32 v1, v63  }
0x78: {  	s31 =	sadd.s32 $0x1, s31;
	[tilespmem:s0+$0x250] =	vst v3;
	v2 =	vmax.f32 v2, $0.0e+00  }
0x79: {  	p1 =	sne.s32 s31, $0x34;
	[tilespmem:s0+$0x260] =	vst v2;
	v1 =	vmax.f32 v1, $0.0e+00  }
.Ltmp2:
0x7a: {  	[tilespmem:s0+$0x270] =	vst v1;
	(pc) =	sbr.rel @p1 .LBB2_4-.Ltmp2, $4  }
0x7b: {  	[spmem:s2] =	stream.indirect.scatter.add.f32 [tilespmem:s23], [sflag:$0x3], $0x80, s19, s22, $0xb8;
	[tilespmem:$0x1FB80] =	vst v63  }
0x7c: {  	_ =	swait.ge [sflag:s25], $0x6000  }
0x7d: {  	[sflag:s25] =	ssyncset.done $0x0  }
0x7e: {  	[sflag:s25] =	ssyncadd.s32 $0xFFFFA000  }
0x7f: {  	s0 =	simm.s32 $0x0  }
0x80: {  	[tilespmem:s26], [sflag:$0x3] =	stream.linear.gather [hbm4b:s15+s0], $0x10, $0x38;
	[tilespmem:$0x1FB80] =	vst v63  }
0x81: {  	_ =	swait.ge [sflag:s25], $0x10  }
0x82: {  	[sflag:s25] =	ssyncset.done $0x0  }
0x83: {  	[sflag:s25] =	ssyncadd.s32 $0xFFFFFFF0  }
0x84: {  	[tilespmem:s28], [sflag:$0x3] =	stream.linear.gather [hbm4b:s16+s0], $0x10, $0x38;
	[tilespmem:$0x1FB80] =	vst v63  }
0x85: {  	_ =	swait.ge [sflag:s25], $0x10  }
0x86: {  	[sflag:s25] =	ssyncset.done $0x0  }
0x87: {  	[sflag:s25] =	ssyncadd.s32 $0xFFFFFFF0  }
0x88: {  	[tilespmem:s23], [sflag:$0x1] =	stream.indirect.gather [hbm4b:s1+s29], $0x80, s26, s29, $0xb8;
	[tilespmem:$0x1FB80] =	vst v63  }
0x89: {  	_ = 	snop  }
0x8a: {  	[tilespmem:s24], [sflag:$0x2] =	stream.indirect.gather [hbm4b:s5+s29], $0x80, s28, s29, $0xb8;
	[tilespmem:$0x1FB80] =	vst v63  }
0x8b: {  	_ =	swait.ge [sflag:s20], $0x800  }
0x8c: {  	[sflag:s20] =	ssyncset.done $0x0  }
0x8d: {  	[sflag:s20] =	ssyncadd.s32 $0xFFFFF800  }
0x8e: {  	_ =	swait.ge [sflag:s21], $0x800  }
0x8f: {  	[sflag:s21] =	ssyncset.done $0x0  }
0x90: {  	s0 =	simm.s32 $0x0;
	[sflag:s21] =	ssyncadd.s32 $0xFFFFF800  }
0x91: {  	v7 =	vld [tilespmem:s0+$0x6200]  }
0x92: {  	v12 =	vld [tilespmem:s0+$0x6210]  }
0x93: {  	v6 =	vld [tilespmem:s0+$0x6220]  }
0x94: {  	v5 =	vld [tilespmem:s0+$0x6230]  }
0x95: {  	v4 =	vld [tilespmem:s0+$0x6240]  }
0x96: {  	v3 =	vld [tilespmem:s0+$0x6250]  }
0x97: {  	v2 =	vld [tilespmem:s0+$0x6260]  }
0x98: {  	v1 =	vld [tilespmem:s0+$0x6270]  }
0x99: {  	v13 =	vld [tilespmem:s0+$0x200]  }
0x9a: {  	v14 =	vld [tilespmem:s0+$0x210]  }
0x9b: {  	v11 =	vld [tilespmem:s0+$0x220]  }
0x9c: {  	v10 =	vld [tilespmem:s0+$0x230]  }
0x9d: {  	v9 =	vld [tilespmem:s0+$0x240]  }
0x9e: {  	v8 =	vld [tilespmem:s0+$0x250];
	v13 =	vadd.f32 v7, v13  }
0x9f: {  	s3 =	simm.s32 $0x200;
	v12 =	vadd.f32 v12, v14;
	v7 =	vld [tilespmem:s0+$0x260]  }
.LBB2_8:
0xa0: {  	s10 =	sshra.s32 s3, $0x2;
	p1 =	sne.s32 s3, $0x1E00;
	v13 =	vmax.f32 v13, $0.0e+00;
	v6 =	vadd.f32 v6, v11;
	v11 =	vld [tilespmem:s0+$0x270]  }
0xa1: {  	v14 =	vld [tilespmem:s10+$0x6200];
	[tilespmem:s0+$0x200] =	vst v13;
	v12 =	vmax.f32 v12, $0.0e+00;
	v5 =	vadd.f32 v5, v10  }
0xa2: {  	v15 =	vld [tilespmem:s10+$0x6210];
	[tilespmem:s0+$0x210] =	vst v12;
	v10 =	vmax.f32 v6, $0.0e+00;
	v4 =	vadd.f32 v4, v9  }
0xa3: {  	v6 =	vld [tilespmem:s10+$0x6220];
	[tilespmem:s0+$0x220] =	vst v10;
	v9 =	vmax.f32 v5, $0.0e+00;
	v3 =	vadd.f32 v3, v8  }
0xa4: {  	v5 =	vld [tilespmem:s10+$0x6230];
	[tilespmem:s0+$0x230] =	vst v9;
	v8 =	vmax.f32 v4, $0.0e+00;
	v2 =	vadd.f32 v2, v7  }
0xa5: {  	v4 =	vld [tilespmem:s10+$0x6240];
	[tilespmem:s0+$0x240] =	vst v8;
	v7 =	vmax.f32 v3, $0.0e+00;
	v1 =	vadd.f32 v1, v11  }
0xa6: {  	v3 =	vld [tilespmem:s10+$0x6250];
	[tilespmem:s0+$0x250] =	vst v7;
	v7 =	vmax.f32 v2, $0.0e+00  }
0xa7: {  	v2 =	vld [tilespmem:s10+$0x6260];
	[tilespmem:s0+$0x260] =	vst v7;
	v7 =	vmax.f32 v1, $0.0e+00  }
0xa8: {  	v1 =	vld [tilespmem:s10+$0x6270];
	[tilespmem:s0+$0x270] =	vst v7;
	s0 =	smov.u32 s10  }
0xa9: {  	v7 =	vld [tilespmem:s0+$0x200]  }
0xaa: {  	v12 =	vld [tilespmem:s0+$0x210]  }
.Ltmp3:
0xab: {  	v11 =	vld [tilespmem:s0+$0x220];
	(pc) =	sbr.rel @p1 .LBB2_8-.Ltmp3, $4  }
0xac: {  	v10 =	vld [tilespmem:s0+$0x230]  }
0xad: {  	v9 =	vld [tilespmem:s0+$0x240]  }
0xae: {  	v13 =	vadd.f32 v14, v7;
	v8 =	vld [tilespmem:s0+$0x250]  }
0xaf: {  	s3 =	sadd.s32 $0x200, s3;
	v12 =	vadd.f32 v15, v12;
	v7 =	vld [tilespmem:s0+$0x260]  }
0xb0: {  	v13 =	vmax.f32 v13, $0.0e+00;
	v6 =	vadd.f32 v6, v11;
	v63 =	vld [tilespmem:s0+$0x270]  }
0xb1: {  	[tilespmem:s0+$0x200] =	vst v13;
	v12 =	vmax.f32 v12, $0.0e+00;
	v5 =	vadd.f32 v5, v10  }
0xb2: {  	[tilespmem:s0+$0x210] =	vst v12;
	v6 =	vmax.f32 v6, $0.0e+00;
	v4 =	vadd.f32 v4, v9  }
0xb3: {  	[tilespmem:s0+$0x220] =	vst v6;
	v5 =	vmax.f32 v5, $0.0e+00;
	v3 =	vadd.f32 v3, v8  }
0xb4: {  	[tilespmem:s0+$0x230] =	vst v5;
	v4 =	vmax.f32 v4, $0.0e+00;
	v2 =	vadd.f32 v2, v7  }
0xb5: {  	[tilespmem:s0+$0x240] =	vst v4;
	v3 =	vmax.f32 v3, $0.0e+00;
	v1 =	vadd.f32 v1, v63  }
0xb6: {  	[tilespmem:s0+$0x250] =	vst v3;
	v2 =	vmax.f32 v2, $0.0e+00  }
0xb7: {  	[tilespmem:s0+$0x260] =	vst v2;
	v1 =	vmax.f32 v1, $0.0e+00  }
0xb8: {  	[tilespmem:s0+$0x270] =	vst v1  }
0xb9: {  	[spmem:s2] =	stream.indirect.scatter.add.f32 [tilespmem:s23], [sflag:$0x3], $0x80, s28, s29, $0xb8;
	[tilespmem:$0x1FB80] =	vst v63  }
0xba: {  	_ =	swait.ge [sflag:s25], $0x800  }
0xbb: {  	s3 =	sshrl.u32 @!p0 s8, $0x3;
	s0 =	stileid.u32;
	[sflag:s25] =	ssyncset.done $0x0  }
0xbc: {  	s4 =	sadd.s32 $0x1, s4;
	s0 =	sshll.u32 @!p0 s0, $0x6;
	[sflag:s25] =	ssyncadd.s32 $0xFFFFF800  }
0xbd: {  	p1 =	sne.s32 s4, s18;
	s0 =	sor.u32 @!p0 $0x1C03, s0;
	[bflag:$0x0] =	sbarrier.arrive $0xFFFF  }
0xbe: {  	[hbm:s17], [sflag:s0] =	dma.local @!p0 [spmem:s3], $0x3E80  }
.Ltmp4:
0xbf: {  	_ = 	snop;
	(pc) =	sbr.rel @p1 .LBB2_1-.Ltmp4, $4  }
0xc0: {  	s0 =	simm.s32 @!p0 $0x3  }
0xc1: {  	_ =	swait.ge @!p0 [sflag:s0], $0x3E80  }
0xc2: {  	[sflag:s0] =	ssyncset.done @!p0 $0x0  }
0xc3: {  	[sflag:s0] =	ssyncadd.s32 @!p0 $0xFFFFC180  }
0xc4: {  	_ =	sfence.sel $0x180000  }
0xc5: {  	[bflag:$0x0] =	sbarrier.arrive $0xFFFF  }
0xc6: {  	_ =	strace $0x90000047  }
0xc7: {  	s0 =	stileid.u32;
	[bflag:$0x2] =	sbarrier.arrive $0xFFFF  }
0xc8: {  	p0 =	sne.s32 s0, $0x0;
	s0 =	rddreg [dreg:$0x3]  }
0xc9: {  	s0 =	sadd.s32 @!p0 $0x100000, s0  }
0xca: {  	[sflag:s0] =	ssyncadd.tile.s32 @!p0 $0x1;
	_ =	shalt  }
.Lfunc_end2:
_tile_overlayer_lowered:
.L_overlay_start_2:
0xcb: {  	(tag) =	ssettag $0x2  }
0xcc: {  	s0 =	rddreg [dreg:$0x0];
	s2 =	stileid.u32  }
0xcd: {  	s1 =	rddreg [dreg:$0x1];
	p0 =	sne.s32 s2, $0x0  }
0xce: {  	s3 =	rddreg [dreg:$0x2];
	[bflag:$0x3] =	sbarrier.arrive $0xFFFF;
	s2 =	simm.s32 @!p0 $0x1C03  }
0xcf: {  	[timem:s3], [sflag:s2] =	dma.local @!p0 [hbm:s0], s1  }
0xd0: {  	s0 =	simm.s32 @!p0 $0x3  }
0xd1: {  	_ =	swait.ge @!p0 [sflag:s0], s1  }
0xd2: {  	s1 =	ssub.s32 @!p0 $0x0, s1;
	[sflag:s0] =	ssyncset.done @!p0 $0x0  }
0xd3: {  	[sflag:s0] =	ssyncadd.s32 @!p0 s1  }
0xd4: {  	[bflag:$0x3] =	sbarrier.arrive $0xFFFF  }
0xd5: {  	_ =	shalt  }

</sc_bundles>
